<compile_context>
chip_gen: v7x
topology: tpu7x:2x2x1
jax: 0.10.2.dev20260603
libtpu: 0.0.44.dev20260713+nightly
codegen_flags: <defaults>
</compile_context>

<pallas_src>
import functools

import jax
import jax.numpy as jnp
from jax import lax
from jax.experimental import pallas as pl
from jax.experimental.pallas import tpu as pltpu
from jax.experimental.pallas import tpu_sc as plsc

N = 10000
E = 320000
D_IN = 128
H = 64

NC = 2
NS = 16
TILES = NC * NS
CH = 128
NPAD = 10240
RPS = NPAD // NS
DROWS = NPAD // 16
DRPS = DROWS // NS


def _make_seg(with_deg: bool, CPT: int, acc_dtype):
    LN = 32 if acc_dtype == jnp.bfloat16 else 16
    mesh = plsc.VectorSubcoreMesh(core_axis_name="c", subcore_axis_name="s")
    out_type = [jax.ShapeDtypeStruct((NC, NPAD, H), acc_dtype)]
    if with_deg:
        out_type.append(jax.ShapeDtypeStruct((NC, NPAD, 16), jnp.float32))
    scratch = [
        pltpu.VMEM_SHARED((NPAD, H), acc_dtype),
        pltpu.VMEM((CPT, CH), jnp.int32),
        pltpu.VMEM((CPT, CH), jnp.int32),
        pltpu.VMEM((CH, H), acc_dtype),
        pltpu.SemaphoreType.DMA,
    ]
    if with_deg:
        scratch += [
            pltpu.VMEM_SHARED((NPAD, 16), jnp.float32),
            pltpu.VMEM((CH, 16), jnp.float32),
        ]

    def body(*refs):
        if with_deg:
            (y_hbm, srcr, dstr, acc_out, deg_out,
             acc_s, src_v, dst_v, rows_v, gsem, deg_s, ones_v) = refs
        else:
            (y_hbm, srcr, dstr, acc_out,
             acc_s, src_v, dst_v, rows_v, gsem) = refs
        c = lax.axis_index("c")
        s = lax.axis_index("s")
        wid = c * NS + s

        def _zrow(i, carry):
            for k in range(H // LN):
                rows_v[i, pl.ds(k * LN, LN)] = jnp.zeros((LN,), acc_dtype)
            return carry
        lax.fori_loop(0, CH, _zrow, 0)
        for b in range(RPS // CH):
            pltpu.sync_copy(rows_v,
                            acc_s.at[pl.ds(s * RPS + b * CH, CH)])

        pltpu.sync_copy(srcr.at[wid], src_v)
        pltpu.sync_copy(dstr.at[wid], dst_v)

        if with_deg:
            def _zd(i, carry):
                ones_v[i] = jnp.zeros((16,), jnp.float32)
                return carry
            lax.fori_loop(0, CH, _zd, 0)
            for b in range(RPS // CH):
                pltpu.sync_copy(ones_v, deg_s.at[pl.ds(s * RPS + b * CH, CH)])

            def _od(i, carry):
                ones_v[i] = jnp.ones((16,), jnp.float32)
                return carry
            lax.fori_loop(0, CH, _od, 0)

        plsc.subcore_barrier()

        def step(j, carry):
            pltpu.async_copy(y_hbm.at[src_v.at[j]], rows_v,
                             gsem).wait()
            pltpu.sync_copy(rows_v, acc_s.at[dst_v.at[j]], add=True)
            if with_deg:
                pltpu.sync_copy(ones_v, deg_s.at[dst_v.at[j]], add=True)
            return carry
        lax.fori_loop(0, CPT, step, 0)

        plsc.subcore_barrier()

        pltpu.sync_copy(acc_s.at[pl.ds(s * RPS, RPS)],
                        acc_out.at[c, pl.ds(s * RPS, RPS)])
        if with_deg:
            pltpu.sync_copy(deg_s.at[pl.ds(s * RPS, RPS)],
                            deg_out.at[c, pl.ds(s * RPS, RPS)])

    ot = tuple(out_type) if with_deg else out_type[0]
    return pl.kernel(
        body, out_type=ot, mesh=mesh, scratch_types=scratch,
        compiler_params=pltpu.CompilerParams(use_tc_tiling_on_sc=False))


CPT1 = 79
_seg_deg = _make_seg(True, CPT1, jnp.bfloat16)
_seg = _make_seg(False, CPT1, jnp.bfloat16)


def _dense_a_body(xp, w1lT, w1rT, y1, xr):
    xv = xp[...]
    y1[...] = jnp.dot(xv, w1lT[...],
                      preferred_element_type=jnp.float32).astype(jnp.bfloat16)
    xr[...] = jnp.dot(xv, w1rT[...], preferred_element_type=jnp.float32)


_dense_a = pl.pallas_call(
    _dense_a_body,
    out_shape=(jax.ShapeDtypeStruct((NPAD, H), jnp.bfloat16),
               jax.ShapeDtypeStruct((NPAD, H), jnp.float32)),
)


def _dense_b_body(acc0, acc1, d0, d1, xr, b1, w2lT, w2rT,
                  h1_o, y2_o, hr2_o, rdeg_o):
    rdeg = 1.0 / jnp.maximum(d0[...] + d1[...], 1.0)
    agg = acc0[...].astype(jnp.float32) + acc1[...].astype(jnp.float32)
    h1 = jnp.maximum(agg * rdeg + xr[...] + b1[...], 0.0)
    h1_o[...] = h1
    y2_o[...] = jnp.dot(h1, w2lT[...],
                        preferred_element_type=jnp.float32).astype(jnp.bfloat16)
    hr2_o[...] = jnp.dot(h1, w2rT[...], preferred_element_type=jnp.float32)
    rdeg_o[...] = rdeg


_dense_b = pl.pallas_call(
    _dense_b_body,
    out_shape=(jax.ShapeDtypeStruct((NPAD, H), jnp.float32),
               jax.ShapeDtypeStruct((NPAD, H), jnp.bfloat16),
               jax.ShapeDtypeStruct((NPAD, H), jnp.float32),
               jax.ShapeDtypeStruct((NPAD, 1), jnp.float32)),
)


def _dense_c_body(acc0, acc1, rdeg, hr2, b2, h1, wa, wb, bl, out_o):
    agg = acc0[...].astype(jnp.float32) + acc1[...].astype(jnp.float32)
    h2 = jnp.maximum(agg * rdeg[...] + hr2[...] + b2[...], 0.0)
    z = (jnp.sum(h1[...] * wa[...], axis=1, keepdims=True)
         + jnp.sum(h2 * wb[...], axis=1, keepdims=True) + bl[...])
    out_o[...] = jax.nn.sigmoid(z)


_dense_c = pl.pallas_call(
    _dense_c_body,
    out_shape=jax.ShapeDtypeStruct((NPAD, 1), jnp.float32),
)


def kernel(x, edge_index, W1l, b1l, W1r, W2l, b2l, W2r, Wlin, blin):
    src = edge_index[0]
    dst = edge_index[1]
    ep = TILES * CPT1 * CH
    srcp = jnp.pad(src, (0, ep - E)).reshape(TILES, CPT1, CH)
    dstp = jnp.pad(dst, (0, ep - E),
                   constant_values=NPAD - 1).reshape(TILES, CPT1, CH)

    xp = jnp.pad(x, ((0, NPAD - N), (0, 0)))
    y1, xr = _dense_a(xp, W1l.T, W1r.T)
    acc1, deg = _seg_deg(y1, srcp, dstp)
    h1, y2, hr2, rdeg = _dense_b(acc1[0], acc1[1],
                                 deg[0, :, :1], deg[1, :, :1], xr,
                                 b1l.reshape(1, H), W2l.T, W2r.T)
    acc2 = _seg(y2, srcp, dstp)
    out = _dense_c(acc2[0], acc2[1], rdeg, hr2, b2l.reshape(1, H), h1,
                   Wlin[:, :H], Wlin[:, H:], blin.reshape(1, 1))
    return out.reshape(NPAD)[:N]

# --- scband reference (transcript-rebuilt; emitter-appended) ---
"""Pipeline reference for scband-graph-sage-39041252721036 (READ-ONLY COPY).

The authoritative reference and input builder live on the scoring server;
editing this copy changes nothing except your own understanding.
"""

import jax, jax.numpy as jnp
import numpy as np

N = 10000
E = 320000
D_IN = 128
H = 64


def _sage_conv(x, src, dst, Wl, bl, Wr):
    # PyG SAGEConv with mean aggregation:
    # out_i = Wl @ mean_{j in N(i)} x_j + Wr @ x_i + bl
    msgs = x[src]
    agg = jax.ops.segment_sum(msgs, dst, num_segments=N)
    deg = jax.ops.segment_sum(jnp.ones((msgs.shape[0],), dtype=x.dtype), dst, num_segments=N)
    mean = agg / jnp.clip(deg, 1.0, None)[:, None]
    return mean @ Wl.T + x @ Wr.T + bl


def setup_inputs(seed: int = 0) -> dict:
    key = jax.random.key(seed)
    ks = jax.random.split(key, 12)
    x = jax.random.normal(ks[0], (N, D_IN), dtype=jnp.float32)
    edge_index = jax.random.randint(ks[1], (2, E), 0, N, dtype=jnp.int32)
    s_in = 1.0 / np.sqrt(D_IN)
    s_h = 1.0 / np.sqrt(H)
    s_jk = 1.0 / np.sqrt(2 * H)
    W1l = jax.random.uniform(ks[2], (H, D_IN), jnp.float32, -s_in, s_in)
    b1l = jax.random.uniform(ks[3], (H,), jnp.float32, -s_in, s_in)
    W1r = jax.random.uniform(ks[4], (H, D_IN), jnp.float32, -s_in, s_in)
    W2l = jax.random.uniform(ks[5], (H, H), jnp.float32, -s_h, s_h)
    b2l = jax.random.uniform(ks[6], (H,), jnp.float32, -s_h, s_h)
    W2r = jax.random.uniform(ks[7], (H, H), jnp.float32, -s_h, s_h)
    Wlin = jax.random.uniform(ks[8], (1, 2 * H), jnp.float32, -s_jk, s_jk)
    blin = jax.random.uniform(ks[9], (1,), jnp.float32, -s_jk, s_jk)
    return {"x": x, "edge_index": edge_index, "W1l": W1l, "b1l": b1l, "W1r": W1r,
            "W2l": W2l, "b2l": b2l, "W2r": W2r, "Wlin": Wlin, "blin": blin}


def reference(x, edge_index, W1l, b1l, W1r, W2l, b2l, W2r, Wlin, blin):
    src = edge_index[0]
    dst = edge_index[1]
    # layer 1 (dropout is identity in eval mode)
    h1 = jax.nn.relu(_sage_conv(x, src, dst, W1l, b1l, W1r))
    # layer 2
    h2 = jax.nn.relu(_sage_conv(h1, src, dst, W2l, b2l, W2r))
    # JumpingKnowledge 'cat'
    h = jnp.concatenate([h1, h2], axis=1)
    out = jax.nn.sigmoid(h @ Wlin.T + blin)
    return out.reshape(-1)

if __name__ == "__main__":
    import jax
    _d = setup_inputs()
    print(jax.jit(kernel)(*tuple(_d.values())))

</pallas_src>

<mosaic_0001>
#map = affine_map<(d0, d1) -> (0, 0)>
#map1 = affine_map<(d0, d1) -> (0, 0, 0)>
module attributes {stable_mosaic.version = 14 : i64} {
  func.func @body(%arg0: i32, %arg1: i32, %arg2: memref<10240x64xbf16, #tpu.memory_space<hbm>>, %arg3: memref<32x79x128xi32, #tpu.memory_space<hbm>>, %arg4: memref<32x79x128xi32, #tpu.memory_space<hbm>>, %arg5: memref<2x10240x64xbf16, #tpu.memory_space<hbm>>, %arg6: memref<2x10240x16xf32, #tpu.memory_space<hbm>>, %arg7: memref<10240x64xbf16, #tpu.memory_space<vmem_shared>>, %arg8: memref<79x128xi32, #tpu.memory_space<vmem>>, %arg9: memref<79x128xi32, #tpu.memory_space<vmem>>, %arg10: memref<128x64xbf16, #tpu.memory_space<vmem>>, %arg11: memref<!tpu.dma_semaphore, #tpu.memory_space<semaphore_mem>>, %arg12: memref<10240x16xf32, #tpu.memory_space<vmem_shared>>, %arg13: memref<128x16xf32, #tpu.memory_space<vmem>>) attributes {dimension_semantics = [#tpu.dimension_semantics<core_parallel>, #tpu.dimension_semantics<subcore_parallel>], iteration_bounds = array<i64: 2, 16>, scalar_prefetch = 0 : i64, scratch_operands = 7 : i64, tpu.core_type = #tpu.core_type<sc_vector_subcore>, window_params = [{transform_indices = #map}, {transform_indices = #map1}, {transform_indices = #map1}, {transform_indices = #map1}, {transform_indices = #map1}]} {
    %mul3A = arith.constant 16 : i32
    %mul3A_0 = arith.muli %arg0, %mul3A : i32
    %add3A = arith.addi %mul3A_0, %arg1 : i32
    %scan3A = arith.constant 0 : i32
    %scan3A_1 = arith.constant 0 : i32
    %scan3A_2 = arith.constant 128 : i32
    %scan3A_3 = arith.addi %scan3A_1, %scan3A_2 : i32
    %scan3A_4 = arith.constant 1 : i32
    scf.for %scan3A_73 = %scan3A_1 to %scan3A_3 step %scan3A_4  : i32 {
      %broadcast_in_dim3A = arith.constant 0.000000e+00 : bf16
      %broadcast_in_dim3A_74 = vector.broadcast %broadcast_in_dim3A : bf16 to vector<32xbf16>
      %swap3A = arith.index_cast %scan3A_73 : i32 to index
      %swap3A_75 = arith.constant 0 : index
      %swap3A_76 = tpu.vector_load %arg10[%swap3A, %swap3A_75] {strides = array<i32>} : memref<128x64xbf16, #tpu.memory_space<vmem>>, vector<1x32xbf16>,
      %swap3A_77 = vector.shape_cast %swap3A_76 : vector<1x32xbf16> to vector<32xbf16>
      %swap3A_78 = vector.shape_cast %broadcast_in_dim3A_74 : vector<32xbf16> to vector<1x32xbf16>
      tpu.vector_store %arg10[%swap3A, %swap3A_75], %swap3A_78 {strides = array<i32>} : memref<128x64xbf16, #tpu.memory_space<vmem>>, vector<1x32xbf16>,
      %broadcast_in_dim3A_79 = arith.constant 0.000000e+00 : bf16
      %broadcast_in_dim3A_80 = vector.broadcast %broadcast_in_dim3A_79 : bf16 to vector<32xbf16>
      %swap3A_81 = arith.index_cast %scan3A_73 : i32 to index
      %swap3A_82 = arith.constant 32 : index
      %swap3A_83 = tpu.vector_load %arg10[%swap3A_81, %swap3A_82] {strides = array<i32>} : memref<128x64xbf16, #tpu.memory_space<vmem>>, vector<1x32xbf16>,
      %swap3A_84 = vector.shape_cast %swap3A_83 : vector<1x32xbf16> to vector<32xbf16>
      %swap3A_85 = vector.shape_cast %broadcast_in_dim3A_80 : vector<32xbf16> to vector<1x32xbf16>
      tpu.vector_store %arg10[%swap3A_81, %swap3A_82], %swap3A_85 {strides = array<i32>} : memref<128x64xbf16, #tpu.memory_space<vmem>>, vector<1x32xbf16>,
    }
    %scan3A_5 = arith.constant 128 : i32
    %mul3A_6 = arith.constant 640 : i32
    %mul3A_7 = arith.muli %arg1, %mul3A_6 : i32
    %add3A_8 = arith.constant 0 : i32
    %add3A_9 = arith.addi %mul3A_7, %add3A_8 : i32
    "tpu.region"() ({
      %run_scoped3A = tpu.sem_alloc : memref<!tpu.dma_semaphore, #tpu.memory_space<semaphore_mem>>
      %dma_start3A = arith.constant 0 : i32
      %dma_start3A_73 = tpu.memref_slice %arg7[%add3A_9, %dma_start3A] : memref<10240x64xbf16, #tpu.memory_space<vmem_shared>> -> memref<128x64xbf16, #tpu.memory_space<vmem_shared>>
      %dma_start3A_74 = arith.constant 0 : i32
      %dma_start3A_75 = tpu.memref_slice %arg7[%add3A_9, %dma_start3A_74] : memref<10240x64xbf16, #tpu.memory_space<vmem_shared>> -> memref<128x64xbf16, #tpu.memory_space<vmem_shared>>
      tpu.enqueue_dma source(%arg10 : memref<128x64xbf16, #tpu.memory_space<vmem>>) target(%dma_start3A_75 : memref<128x64xbf16, #tpu.memory_space<vmem_shared>>) target_semaphore(%run_scoped3A : memref<!tpu.dma_semaphore, #tpu.memory_space<semaphore_mem>>)
      %dma_wait3A = arith.constant 0 : i32
      %dma_wait3A_76 = tpu.memref_slice %arg7[%add3A_9, %dma_wait3A] : memref<10240x64xbf16, #tpu.memory_space<vmem_shared>> -> memref<128x64xbf16, #tpu.memory_space<vmem_shared>>
      %dma_wait3A_77 = arith.constant 0 : i32
      %dma_wait3A_78 = tpu.memref_slice %arg7[%add3A_9, %dma_wait3A_77] : memref<10240x64xbf16, #tpu.memory_space<vmem_shared>> -> memref<128x64xbf16, #tpu.memory_space<vmem_shared>>
      tpu.wait_dma2 semaphore(%run_scoped3A : memref<!tpu.dma_semaphore, #tpu.memory_space<semaphore_mem>>) src(%arg10 : memref<128x64xbf16, #tpu.memory_space<vmem>>) dst(%dma_wait3A_78 : memref<128x64xbf16, #tpu.memory_space<vmem_shared>>)
      tpu.yield
    }) : () -> ()
    %mul3A_10 = arith.constant 640 : i32
    %mul3A_11 = arith.muli %arg1, %mul3A_10 : i32
    %add3A_12 = arith.constant 128 : i32
    %add3A_13 = arith.addi %mul3A_11, %add3A_12 : i32
    "tpu.region"() ({
      %run_scoped3A = tpu.sem_alloc : memref<!tpu.dma_semaphore, #tpu.memory_space<semaphore_mem>>
      %dma_start3A = arith.constant 0 : i32
      %dma_start3A_73 = tpu.memref_slice %arg7[%add3A_13, %dma_start3A] : memref<10240x64xbf16, #tpu.memory_space<vmem_shared>> -> memref<128x64xbf16, #tpu.memory_space<vmem_shared>>
      %dma_start3A_74 = arith.constant 0 : i32
      %dma_start3A_75 = tpu.memref_slice %arg7[%add3A_13, %dma_start3A_74] : memref<10240x64xbf16, #tpu.memory_space<vmem_shared>> -> memref<128x64xbf16, #tpu.memory_space<vmem_shared>>
      tpu.enqueue_dma source(%arg10 : memref<128x64xbf16, #tpu.memory_space<vmem>>) target(%dma_start3A_75 : memref<128x64xbf16, #tpu.memory_space<vmem_shared>>) target_semaphore(%run_scoped3A : memref<!tpu.dma_semaphore, #tpu.memory_space<semaphore_mem>>)
      %dma_wait3A = arith.constant 0 : i32
      %dma_wait3A_76 = tpu.memref_slice %arg7[%add3A_13, %dma_wait3A] : memref<10240x64xbf16, #tpu.memory_space<vmem_shared>> -> memref<128x64xbf16, #tpu.memory_space<vmem_shared>>
      %dma_wait3A_77 = arith.constant 0 : i32
      %dma_wait3A_78 = tpu.memref_slice %arg7[%add3A_13, %dma_wait3A_77] : memref<10240x64xbf16, #tpu.memory_space<vmem_shared>> -> memref<128x64xbf16, #tpu.memory_space<vmem_shared>>
      tpu.wait_dma2 semaphore(%run_scoped3A : memref<!tpu.dma_semaphore, #tpu.memory_space<semaphore_mem>>) src(%arg10 : memref<128x64xbf16, #tpu.memory_space<vmem>>) dst(%dma_wait3A_78 : memref<128x64xbf16, #tpu.memory_space<vmem_shared>>)
      tpu.yield
    }) : () -> ()
    %mul3A_14 = arith.constant 640 : i32
    %mul3A_15 = arith.muli %arg1, %mul3A_14 : i32
    %add3A_16 = arith.constant 256 : i32
    %add3A_17 = arith.addi %mul3A_15, %add3A_16 : i32
    "tpu.region"() ({
      %run_scoped3A = tpu.sem_alloc : memref<!tpu.dma_semaphore, #tpu.memory_space<semaphore_mem>>
      %dma_start3A = arith.constant 0 : i32
      %dma_start3A_73 = tpu.memref_slice %arg7[%add3A_17, %dma_start3A] : memref<10240x64xbf16, #tpu.memory_space<vmem_shared>> -> memref<128x64xbf16, #tpu.memory_space<vmem_shared>>
      %dma_start3A_74 = arith.constant 0 : i32
      %dma_start3A_75 = tpu.memref_slice %arg7[%add3A_17, %dma_start3A_74] : memref<10240x64xbf16, #tpu.memory_space<vmem_shared>> -> memref<128x64xbf16, #tpu.memory_space<vmem_shared>>
      tpu.enqueue_dma source(%arg10 : memref<128x64xbf16, #tpu.memory_space<vmem>>) target(%dma_start3A_75 : memref<128x64xbf16, #tpu.memory_space<vmem_shared>>) target_semaphore(%run_scoped3A : memref<!tpu.dma_semaphore, #tpu.memory_space<semaphore_mem>>)
      %dma_wait3A = arith.constant 0 : i32
      %dma_wait3A_76 = tpu.memref_slice %arg7[%add3A_17, %dma_wait3A] : memref<10240x64xbf16, #tpu.memory_space<vmem_shared>> -> memref<128x64xbf16, #tpu.memory_space<vmem_shared>>
      %dma_wait3A_77 = arith.constant 0 : i32
      %dma_wait3A_78 = tpu.memref_slice %arg7[%add3A_17, %dma_wait3A_77] : memref<10240x64xbf16, #tpu.memory_space<vmem_shared>> -> memref<128x64xbf16, #tpu.memory_space<vmem_shared>>
      tpu.wait_dma2 semaphore(%run_scoped3A : memref<!tpu.dma_semaphore, #tpu.memory_space<semaphore_mem>>) src(%arg10 : memref<128x64xbf16, #tpu.memory_space<vmem>>) dst(%dma_wait3A_78 : memref<128x64xbf16, #tpu.memory_space<vmem_shared>>)
      tpu.yield
    }) : () -> ()
    %mul3A_18 = arith.constant 640 : i32
    %mul3A_19 = arith.muli %arg1, %mul3A_18 : i32
    %add3A_20 = arith.constant 384 : i32
    %add3A_21 = arith.addi %mul3A_19, %add3A_20 : i32
    "tpu.region"() ({
      %run_scoped3A = tpu.sem_alloc : memref<!tpu.dma_semaphore, #tpu.memory_space<semaphore_mem>>
      %dma_start3A = arith.constant 0 : i32
      %dma_start3A_73 = tpu.memref_slice %arg7[%add3A_21, %dma_start3A] : memref<10240x64xbf16, #tpu.memory_space<vmem_shared>> -> memref<128x64xbf16, #tpu.memory_space<vmem_shared>>
      %dma_start3A_74 = arith.constant 0 : i32
      %dma_start3A_75 = tpu.memref_slice %arg7[%add3A_21, %dma_start3A_74] : memref<10240x64xbf16, #tpu.memory_space<vmem_shared>> -> memref<128x64xbf16, #tpu.memory_space<vmem_shared>>
      tpu.enqueue_dma source(%arg10 : memref<128x64xbf16, #tpu.memory_space<vmem>>) target(%dma_start3A_75 : memref<128x64xbf16, #tpu.memory_space<vmem_shared>>) target_semaphore(%run_scoped3A : memref<!tpu.dma_semaphore, #tpu.memory_space<semaphore_mem>>)
      %dma_wait3A = arith.constant 0 : i32
      %dma_wait3A_76 = tpu.memref_slice %arg7[%add3A_21, %dma_wait3A] : memref<10240x64xbf16, #tpu.memory_space<vmem_shared>> -> memref<128x64xbf16, #tpu.memory_space<vmem_shared>>
      %dma_wait3A_77 = arith.constant 0 : i32
      %dma_wait3A_78 = tpu.memref_slice %arg7[%add3A_21, %dma_wait3A_77] : memref<10240x64xbf16, #tpu.memory_space<vmem_shared>> -> memref<128x64xbf16, #tpu.memory_space<vmem_shared>>
      tpu.wait_dma2 semaphore(%run_scoped3A : memref<!tpu.dma_semaphore, #tpu.memory_space<semaphore_mem>>) src(%arg10 : memref<128x64xbf16, #tpu.memory_space<vmem>>) dst(%dma_wait3A_78 : memref<128x64xbf16, #tpu.memory_space<vmem_shared>>)
      tpu.yield
    }) : () -> ()
    %mul3A_22 = arith.constant 640 : i32
    %mul3A_23 = arith.muli %arg1, %mul3A_22 : i32
    %add3A_24 = arith.constant 512 : i32
    %add3A_25 = arith.addi %mul3A_23, %add3A_24 : i32
    "tpu.region"() ({
      %run_scoped3A = tpu.sem_alloc : memref<!tpu.dma_semaphore, #tpu.memory_space<semaphore_mem>>
      %dma_start3A = arith.constant 0 : i32
      %dma_start3A_73 = tpu.memref_slice %arg7[%add3A_25, %dma_start3A] : memref<10240x64xbf16, #tpu.memory_space<vmem_shared>> -> memref<128x64xbf16, #tpu.memory_space<vmem_shared>>
      %dma_start3A_74 = arith.constant 0 : i32
      %dma_start3A_75 = tpu.memref_slice %arg7[%add3A_25, %dma_start3A_74] : memref<10240x64xbf16, #tpu.memory_space<vmem_shared>> -> memref<128x64xbf16, #tpu.memory_space<vmem_shared>>
      tpu.enqueue_dma source(%arg10 : memref<128x64xbf16, #tpu.memory_space<vmem>>) target(%dma_start3A_75 : memref<128x64xbf16, #tpu.memory_space<vmem_shared>>) target_semaphore(%run_scoped3A : memref<!tpu.dma_semaphore, #tpu.memory_space<semaphore_mem>>)
      %dma_wait3A = arith.constant 0 : i32
      %dma_wait3A_76 = tpu.memref_slice %arg7[%add3A_25, %dma_wait3A] : memref<10240x64xbf16, #tpu.memory_space<vmem_shared>> -> memref<128x64xbf16, #tpu.memory_space<vmem_shared>>
      %dma_wait3A_77 = arith.constant 0 : i32
      %dma_wait3A_78 = tpu.memref_slice %arg7[%add3A_25, %dma_wait3A_77] : memref<10240x64xbf16, #tpu.memory_space<vmem_shared>> -> memref<128x64xbf16, #tpu.memory_space<vmem_shared>>
      tpu.wait_dma2 semaphore(%run_scoped3A : memref<!tpu.dma_semaphore, #tpu.memory_space<semaphore_mem>>) src(%arg10 : memref<128x64xbf16, #tpu.memory_space<vmem>>) dst(%dma_wait3A_78 : memref<128x64xbf16, #tpu.memory_space<vmem_shared>>)
      tpu.yield
    }) : () -> ()
    "tpu.region"() ({
      %run_scoped3A = tpu.sem_alloc : memref<!tpu.dma_semaphore, #tpu.memory_space<semaphore_mem>>
      %dma_start3A = arith.constant 0 : i32
      %dma_start3A_73 = arith.constant 0 : i32
      %dma_start3A_74 = tpu.memref_slice %arg3[%add3A, %dma_start3A, %dma_start3A_73] : memref<32x79x128xi32, #tpu.memory_space<hbm>> -> memref<1x79x128xi32, #tpu.memory_space<hbm>>
      %dma_start3A_75 = tpu.memref_squeeze %dma_start3A_74 : memref<1x79x128xi32, #tpu.memory_space<hbm>> -> memref<79x128xi32, #tpu.memory_space<hbm>>
      %dma_start3A_76 = arith.constant 0 : i32
      %dma_start3A_77 = arith.constant 0 : i32
      %dma_start3A_78 = tpu.memref_slice %arg3[%add3A, %dma_start3A_76, %dma_start3A_77] : memref<32x79x128xi32, #tpu.memory_space<hbm>> -> memref<1x79x128xi32, #tpu.memory_space<hbm>>
      %dma_start3A_79 = tpu.memref_squeeze %dma_start3A_78 : memref<1x79x128xi32, #tpu.memory_space<hbm>> -> memref<79x128xi32, #tpu.memory_space<hbm>>
      tpu.enqueue_dma source(%dma_start3A_79 : memref<79x128xi32, #tpu.memory_space<hbm>>) target(%arg8 : memref<79x128xi32, #tpu.memory_space<vmem>>) target_semaphore(%run_scoped3A : memref<!tpu.dma_semaphore, #tpu.memory_space<semaphore_mem>>)
      %dma_wait3A = arith.constant 0 : i32
      %dma_wait3A_80 = arith.constant 0 : i32
      %dma_wait3A_81 = tpu.memref_slice %arg3[%add3A, %dma_wait3A, %dma_wait3A_80] : memref<32x79x128xi32, #tpu.memory_space<hbm>> -> memref<1x79x128xi32, #tpu.memory_space<hbm>>
      %dma_wait3A_82 = tpu.memref_squeeze %dma_wait3A_81 : memref<1x79x128xi32, #tpu.memory_space<hbm>> -> memref<79x128xi32, #tpu.memory_space<hbm>>
      %dma_wait3A_83 = arith.constant 0 : i32
      %dma_wait3A_84 = arith.constant 0 : i32
      %dma_wait3A_85 = tpu.memref_slice %arg3[%add3A, %dma_wait3A_83, %dma_wait3A_84] : memref<32x79x128xi32, #tpu.memory_space<hbm>> -> memref<1x79x128xi32, #tpu.memory_space<hbm>>
      %dma_wait3A_86 = tpu.memref_squeeze %dma_wait3A_85 : memref<1x79x128xi32, #tpu.memory_space<hbm>> -> memref<79x128xi32, #tpu.memory_space<hbm>>
      tpu.wait_dma2 semaphore(%run_scoped3A : memref<!tpu.dma_semaphore, #tpu.memory_space<semaphore_mem>>) src(%dma_wait3A_86 : memref<79x128xi32, #tpu.memory_space<hbm>>) dst(%arg8 : memref<79x128xi32, #tpu.memory_space<vmem>>)
      tpu.yield
    }) : () -> ()
    "tpu.region"() ({
      %run_scoped3A = tpu.sem_alloc : memref<!tpu.dma_semaphore, #tpu.memory_space<semaphore_mem>>
      %dma_start3A = arith.constant 0 : i32
      %dma_start3A_73 = arith.constant 0 : i32
      %dma_start3A_74 = tpu.memref_slice %arg4[%add3A, %dma_start3A, %dma_start3A_73] : memref<32x79x128xi32, #tpu.memory_space<hbm>> -> memref<1x79x128xi32, #tpu.memory_space<hbm>>
      %dma_start3A_75 = tpu.memref_squeeze %dma_start3A_74 : memref<1x79x128xi32, #tpu.memory_space<hbm>> -> memref<79x128xi32, #tpu.memory_space<hbm>>
      %dma_start3A_76 = arith.constant 0 : i32
      %dma_start3A_77 = arith.constant 0 : i32
      %dma_start3A_78 = tpu.memref_slice %arg4[%add3A, %dma_start3A_76, %dma_start3A_77] : memref<32x79x128xi32, #tpu.memory_space<hbm>> -> memref<1x79x128xi32, #tpu.memory_space<hbm>>
      %dma_start3A_79 = tpu.memref_squeeze %dma_start3A_78 : memref<1x79x128xi32, #tpu.memory_space<hbm>> -> memref<79x128xi32, #tpu.memory_space<hbm>>
      tpu.enqueue_dma source(%dma_start3A_79 : memref<79x128xi32, #tpu.memory_space<hbm>>) target(%arg9 : memref<79x128xi32, #tpu.memory_space<vmem>>) target_semaphore(%run_scoped3A : memref<!tpu.dma_semaphore, #tpu.memory_space<semaphore_mem>>)
      %dma_wait3A = arith.constant 0 : i32
      %dma_wait3A_80 = arith.constant 0 : i32
      %dma_wait3A_81 = tpu.memref_slice %arg4[%add3A, %dma_wait3A, %dma_wait3A_80] : memref<32x79x128xi32, #tpu.memory_space<hbm>> -> memref<1x79x128xi32, #tpu.memory_space<hbm>>
      %dma_wait3A_82 = tpu.memref_squeeze %dma_wait3A_81 : memref<1x79x128xi32, #tpu.memory_space<hbm>> -> memref<79x128xi32, #tpu.memory_space<hbm>>
      %dma_wait3A_83 = arith.constant 0 : i32
      %dma_wait3A_84 = arith.constant 0 : i32
      %dma_wait3A_85 = tpu.memref_slice %arg4[%add3A, %dma_wait3A_83, %dma_wait3A_84] : memref<32x79x128xi32, #tpu.memory_space<hbm>> -> memref<1x79x128xi32, #tpu.memory_space<hbm>>
      %dma_wait3A_86 = tpu.memref_squeeze %dma_wait3A_85 : memref<1x79x128xi32, #tpu.memory_space<hbm>> -> memref<79x128xi32, #tpu.memory_space<hbm>>
      tpu.wait_dma2 semaphore(%run_scoped3A : memref<!tpu.dma_semaphore, #tpu.memory_space<semaphore_mem>>) src(%dma_wait3A_86 : memref<79x128xi32, #tpu.memory_space<hbm>>) dst(%arg9 : memref<79x128xi32, #tpu.memory_space<vmem>>)
      tpu.yield
    }) : () -> ()
    %scan3A_26 = arith.constant 0 : i32
    %scan3A_27 = arith.constant 0 : i32
    %scan3A_28 = arith.constant 128 : i32
    %scan3A_29 = arith.addi %scan3A_27, %scan3A_28 : i32
    %scan3A_30 = arith.constant 1 : i32
    scf.for %scan3A_73 = %scan3A_27 to %scan3A_29 step %scan3A_30  : i32 {
      %broadcast_in_dim3A = arith.constant 0.000000e+00 : f32
      %broadcast_in_dim3A_74 = vector.broadcast %broadcast_in_dim3A : f32 to vector<16xf32>
      %swap3A = arith.index_cast %scan3A_73 : i32 to index
      %swap3A_75 = arith.constant 0 : index
      %swap3A_76 = tpu.vector_load %arg13[%swap3A, %swap3A_75] {strides = array<i32>} : memref<128x16xf32, #tpu.memory_space<vmem>>, vector<1x16xf32>,
      %swap3A_77 = vector.shape_cast %swap3A_76 : vector<1x16xf32> to vector<16xf32>
      %swap3A_78 = vector.shape_cast %broadcast_in_dim3A_74 : vector<16xf32> to vector<1x16xf32>
      tpu.vector_store %arg13[%swap3A, %swap3A_75], %swap3A_78 {strides = array<i32>} : memref<128x16xf32, #tpu.memory_space<vmem>>, vector<1x16xf32>,
    }
    %scan3A_31 = arith.constant 128 : i32
    %mul3A_32 = arith.constant 640 : i32
    %mul3A_33 = arith.muli %arg1, %mul3A_32 : i32
    %add3A_34 = arith.constant 0 : i32
    %add3A_35 = arith.addi %mul3A_33, %add3A_34 : i32
    "tpu.region"() ({
      %run_scoped3A = tpu.sem_alloc : memref<!tpu.dma_semaphore, #tpu.memory_space<semaphore_mem>>
      %dma_start3A = arith.constant 0 : i32
      %dma_start3A_73 = tpu.memref_slice %arg12[%add3A_35, %dma_start3A] : memref<10240x16xf32, #tpu.memory_space<vmem_shared>> -> memref<128x16xf32, #tpu.memory_space<vmem_shared>>
      %dma_start3A_74 = arith.constant 0 : i32
      %dma_start3A_75 = tpu.memref_slice %arg12[%add3A_35, %dma_start3A_74] : memref<10240x16xf32, #tpu.memory_space<vmem_shared>> -> memref<128x16xf32, #tpu.memory_space<vmem_shared>>
      tpu.enqueue_dma source(%arg13 : memref<128x16xf32, #tpu.memory_space<vmem>>) target(%dma_start3A_75 : memref<128x16xf32, #tpu.memory_space<vmem_shared>>) target_semaphore(%run_scoped3A : memref<!tpu.dma_semaphore, #tpu.memory_space<semaphore_mem>>)
      %dma_wait3A = arith.constant 0 : i32
      %dma_wait3A_76 = tpu.memref_slice %arg12[%add3A_35, %dma_wait3A] : memref<10240x16xf32, #tpu.memory_space<vmem_shared>> -> memref<128x16xf32, #tpu.memory_space<vmem_shared>>
      %dma_wait3A_77 = arith.constant 0 : i32
      %dma_wait3A_78 = tpu.memref_slice %arg12[%add3A_35, %dma_wait3A_77] : memref<10240x16xf32, #tpu.memory_space<vmem_shared>> -> memref<128x16xf32, #tpu.memory_space<vmem_shared>>
      tpu.wait_dma2 semaphore(%run_scoped3A : memref<!tpu.dma_semaphore, #tpu.memory_space<semaphore_mem>>) src(%arg13 : memref<128x16xf32, #tpu.memory_space<vmem>>) dst(%dma_wait3A_78 : memref<128x16xf32, #tpu.memory_space<vmem_shared>>)
      tpu.yield
    }) : () -> ()
    %mul3A_36 = arith.constant 640 : i32
    %mul3A_37 = arith.muli %arg1, %mul3A_36 : i32
    %add3A_38 = arith.constant 128 : i32
    %add3A_39 = arith.addi %mul3A_37, %add3A_38 : i32
    "tpu.region"() ({
      %run_scoped3A = tpu.sem_alloc : memref<!tpu.dma_semaphore, #tpu.memory_space<semaphore_mem>>
      %dma_start3A = arith.constant 0 : i32
      %dma_start3A_73 = tpu.memref_slice %arg12[%add3A_39, %dma_start3A] : memref<10240x16xf32, #tpu.memory_space<vmem_shared>> -> memref<128x16xf32, #tpu.memory_space<vmem_shared>>
      %dma_start3A_74 = arith.constant 0 : i32
      %dma_start3A_75 = tpu.memref_slice %arg12[%add3A_39, %dma_start3A_74] : memref<10240x16xf32, #tpu.memory_space<vmem_shared>> -> memref<128x16xf32, #tpu.memory_space<vmem_shared>>
      tpu.enqueue_dma source(%arg13 : memref<128x16xf32, #tpu.memory_space<vmem>>) target(%dma_start3A_75 : memref<128x16xf32, #tpu.memory_space<vmem_shared>>) target_semaphore(%run_scoped3A : memref<!tpu.dma_semaphore, #tpu.memory_space<semaphore_mem>>)
      %dma_wait3A = arith.constant 0 : i32
      %dma_wait3A_76 = tpu.memref_slice %arg12[%add3A_39, %dma_wait3A] : memref<10240x16xf32, #tpu.memory_space<vmem_shared>> -> memref<128x16xf32, #tpu.memory_space<vmem_shared>>
      %dma_wait3A_77 = arith.constant 0 : i32
      %dma_wait3A_78 = tpu.memref_slice %arg12[%add3A_39, %dma_wait3A_77] : memref<10240x16xf32, #tpu.memory_space<vmem_shared>> -> memref<128x16xf32, #tpu.memory_space<vmem_shared>>
      tpu.wait_dma2 semaphore(%run_scoped3A : memref<!tpu.dma_semaphore, #tpu.memory_space<semaphore_mem>>) src(%arg13 : memref<128x16xf32, #tpu.memory_space<vmem>>) dst(%dma_wait3A_78 : memref<128x16xf32, #tpu.memory_space<vmem_shared>>)
      tpu.yield
    }) : () -> ()
    %mul3A_40 = arith.constant 640 : i32
    %mul3A_41 = arith.muli %arg1, %mul3A_40 : i32
    %add3A_42 = arith.constant 256 : i32
    %add3A_43 = arith.addi %mul3A_41, %add3A_42 : i32
    "tpu.region"() ({
      %run_scoped3A = tpu.sem_alloc : memref<!tpu.dma_semaphore, #tpu.memory_space<semaphore_mem>>
      %dma_start3A = arith.constant 0 : i32
      %dma_start3A_73 = tpu.memref_slice %arg12[%add3A_43, %dma_start3A] : memref<10240x16xf32, #tpu.memory_space<vmem_shared>> -> memref<128x16xf32, #tpu.memory_space<vmem_shared>>
      %dma_start3A_74 = arith.constant 0 : i32
      %dma_start3A_75 = tpu.memref_slice %arg12[%add3A_43, %dma_start3A_74] : memref<10240x16xf32, #tpu.memory_space<vmem_shared>> -> memref<128x16xf32, #tpu.memory_space<vmem_shared>>
      tpu.enqueue_dma source(%arg13 : memref<128x16xf32, #tpu.memory_space<vmem>>) target(%dma_start3A_75 : memref<128x16xf32, #tpu.memory_space<vmem_shared>>) target_semaphore(%run_scoped3A : memref<!tpu.dma_semaphore, #tpu.memory_space<semaphore_mem>>)
      %dma_wait3A = arith.constant 0 : i32
      %dma_wait3A_76 = tpu.memref_slice %arg12[%add3A_43, %dma_wait3A] : memref<10240x16xf32, #tpu.memory_space<vmem_shared>> -> memref<128x16xf32, #tpu.memory_space<vmem_shared>>
      %dma_wait3A_77 = arith.constant 0 : i32
      %dma_wait3A_78 = tpu.memref_slice %arg12[%add3A_43, %dma_wait3A_77] : memref<10240x16xf32, #tpu.memory_space<vmem_shared>> -> memref<128x16xf32, #tpu.memory_space<vmem_shared>>
      tpu.wait_dma2 semaphore(%run_scoped3A : memref<!tpu.dma_semaphore, #tpu.memory_space<semaphore_mem>>) src(%arg13 : memref<128x16xf32, #tpu.memory_space<vmem>>) dst(%dma_wait3A_78 : memref<128x16xf32, #tpu.memory_space<vmem_shared>>)
      tpu.yield
    }) : () -> ()
    %mul3A_44 = arith.constant 640 : i32
    %mul3A_45 = arith.muli %arg1, %mul3A_44 : i32
    %add3A_46 = arith.constant 384 : i32
    %add3A_47 = arith.addi %mul3A_45, %add3A_46 : i32
    "tpu.region"() ({
      %run_scoped3A = tpu.sem_alloc : memref<!tpu.dma_semaphore, #tpu.memory_space<semaphore_mem>>
      %dma_start3A = arith.constant 0 : i32
      %dma_start3A_73 = tpu.memref_slice %arg12[%add3A_47, %dma_start3A] : memref<10240x16xf32, #tpu.memory_space<vmem_shared>> -> memref<128x16xf32, #tpu.memory_space<vmem_shared>>
      %dma_start3A_74 = arith.constant 0 : i32
      %dma_start3A_75 = tpu.memref_slice %arg12[%add3A_47, %dma_start3A_74] : memref<10240x16xf32, #tpu.memory_space<vmem_shared>> -> memref<128x16xf32, #tpu.memory_space<vmem_shared>>
      tpu.enqueue_dma source(%arg13 : memref<128x16xf32, #tpu.memory_space<vmem>>) target(%dma_start3A_75 : memref<128x16xf32, #tpu.memory_space<vmem_shared>>) target_semaphore(%run_scoped3A : memref<!tpu.dma_semaphore, #tpu.memory_space<semaphore_mem>>)
      %dma_wait3A = arith.constant 0 : i32
      %dma_wait3A_76 = tpu.memref_slice %arg12[%add3A_47, %dma_wait3A] : memref<10240x16xf32, #tpu.memory_space<vmem_shared>> -> memref<128x16xf32, #tpu.memory_space<vmem_shared>>
      %dma_wait3A_77 = arith.constant 0 : i32
      %dma_wait3A_78 = tpu.memref_slice %arg12[%add3A_47, %dma_wait3A_77] : memref<10240x16xf32, #tpu.memory_space<vmem_shared>> -> memref<128x16xf32, #tpu.memory_space<vmem_shared>>
      tpu.wait_dma2 semaphore(%run_scoped3A : memref<!tpu.dma_semaphore, #tpu.memory_space<semaphore_mem>>) src(%arg13 : memref<128x16xf32, #tpu.memory_space<vmem>>) dst(%dma_wait3A_78 : memref<128x16xf32, #tpu.memory_space<vmem_shared>>)
      tpu.yield
    }) : () -> ()
    %mul3A_48 = arith.constant 640 : i32
    %mul3A_49 = arith.muli %arg1, %mul3A_48 : i32
    %add3A_50 = arith.constant 512 : i32
    %add3A_51 = arith.addi %mul3A_49, %add3A_50 : i32
    "tpu.region"() ({
      %run_scoped3A = tpu.sem_alloc : memref<!tpu.dma_semaphore, #tpu.memory_space<semaphore_mem>>
      %dma_start3A = arith.constant 0 : i32
      %dma_start3A_73 = tpu.memref_slice %arg12[%add3A_51, %dma_start3A] : memref<10240x16xf32, #tpu.memory_space<vmem_shared>> -> memref<128x16xf32, #tpu.memory_space<vmem_shared>>
      %dma_start3A_74 = arith.constant 0 : i32
      %dma_start3A_75 = tpu.memref_slice %arg12[%add3A_51, %dma_start3A_74] : memref<10240x16xf32, #tpu.memory_space<vmem_shared>> -> memref<128x16xf32, #tpu.memory_space<vmem_shared>>
      tpu.enqueue_dma source(%arg13 : memref<128x16xf32, #tpu.memory_space<vmem>>) target(%dma_start3A_75 : memref<128x16xf32, #tpu.memory_space<vmem_shared>>) target_semaphore(%run_scoped3A : memref<!tpu.dma_semaphore, #tpu.memory_space<semaphore_mem>>)
      %dma_wait3A = arith.constant 0 : i32
      %dma_wait3A_76 = tpu.memref_slice %arg12[%add3A_51, %dma_wait3A] : memref<10240x16xf32, #tpu.memory_space<vmem_shared>> -> memref<128x16xf32, #tpu.memory_space<vmem_shared>>
      %dma_wait3A_77 = arith.constant 0 : i32
      %dma_wait3A_78 = tpu.memref_slice %arg12[%add3A_51, %dma_wait3A_77] : memref<10240x16xf32, #tpu.memory_space<vmem_shared>> -> memref<128x16xf32, #tpu.memory_space<vmem_shared>>
      tpu.wait_dma2 semaphore(%run_scoped3A : memref<!tpu.dma_semaphore, #tpu.memory_space<semaphore_mem>>) src(%arg13 : memref<128x16xf32, #tpu.memory_space<vmem>>) dst(%dma_wait3A_78 : memref<128x16xf32, #tpu.memory_space<vmem_shared>>)
      tpu.yield
    }) : () -> ()
    %scan3A_52 = arith.constant 0 : i32
    %scan3A_53 = arith.constant 0 : i32
    %scan3A_54 = arith.constant 128 : i32
    %scan3A_55 = arith.addi %scan3A_53, %scan3A_54 : i32
    %scan3A_56 = arith.constant 1 : i32
    scf.for %scan3A_73 = %scan3A_53 to %scan3A_55 step %scan3A_56  : i32 {
      %broadcast_in_dim3A = arith.constant 1.000000e+00 : f32
      %broadcast_in_dim3A_74 = vector.broadcast %broadcast_in_dim3A : f32 to vector<16xf32>
      %swap3A = arith.index_cast %scan3A_73 : i32 to index
      %swap3A_75 = arith.constant 0 : index
      %swap3A_76 = tpu.vector_load %arg13[%swap3A, %swap3A_75] {strides = array<i32>} : memref<128x16xf32, #tpu.memory_space<vmem>>, vector<1x16xf32>,
      %swap3A_77 = vector.shape_cast %swap3A_76 : vector<1x16xf32> to vector<16xf32>
      %swap3A_78 = vector.shape_cast %broadcast_in_dim3A_74 : vector<16xf32> to vector<1x16xf32>
      tpu.vector_store %arg13[%swap3A, %swap3A_75], %swap3A_78 {strides = array<i32>} : memref<128x16xf32, #tpu.memory_space<vmem>>, vector<1x16xf32>,
    }
    %scan3A_57 = arith.constant 128 : i32
    %barrier3A = arith.constant 0 : index
    tpu.barrier barrier_id(%barrier3A)
    %scan3A_58 = arith.constant 0 : i32
    %scan3A_59 = arith.constant 0 : i32
    %scan3A_60 = arith.constant 79 : i32
    %scan3A_61 = arith.addi %scan3A_59, %scan3A_60 : i32
    %scan3A_62 = arith.constant 1 : i32
    scf.for %scan3A_73 = %scan3A_59 to %scan3A_61 step %scan3A_62  : i32 {
      %dma_start3A = arith.constant 0 : i32
      %dma_start3A_74 = tpu.memref_slice %arg8[%scan3A_73, %dma_start3A] : memref<79x128xi32, #tpu.memory_space<vmem>> -> memref<1x128xi32, #tpu.memory_space<vmem>>
      %dma_start3A_75 = tpu.memref_squeeze %dma_start3A_74 : memref<1x128xi32, #tpu.memory_space<vmem>> -> memref<128xi32, #tpu.memory_space<vmem>>
      %dma_start3A_76 = arith.constant 0 : i32
      %dma_start3A_77 = arith.constant 0 : i32
      %dma_start3A_78 = tpu.memref_slice %arg2[%dma_start3A_76, %dma_start3A_77] : memref<10240x64xbf16, #tpu.memory_space<hbm>> -> memref<10240x64xbf16, #tpu.memory_space<hbm>>
      tpu.enqueue_indirect_dma source(%dma_start3A_78 : memref<10240x64xbf16, #tpu.memory_space<hbm>>) target(%arg10 : memref<128x64xbf16, #tpu.memory_space<vmem>>) offsets(%dma_start3A_75 : memref<128xi32, #tpu.memory_space<vmem>>) semaphore(%arg11 : memref<!tpu.dma_semaphore, #tpu.memory_space<semaphore_mem>>)
      %dma_wait3A = arith.constant 0 : i32
      %dma_wait3A_79 = tpu.memref_slice %arg8[%scan3A_73, %dma_wait3A] : memref<79x128xi32, #tpu.memory_space<vmem>> -> memref<1x128xi32, #tpu.memory_space<vmem>>
      %dma_wait3A_80 = tpu.memref_squeeze %dma_wait3A_79 : memref<1x128xi32, #tpu.memory_space<vmem>> -> memref<128xi32, #tpu.memory_space<vmem>>
      %dma_wait3A_81 = arith.constant 0 : i32
      %dma_wait3A_82 = arith.constant 0 : i32
      %dma_wait3A_83 = tpu.memref_slice %arg2[%dma_wait3A_81, %dma_wait3A_82] : memref<10240x64xbf16, #tpu.memory_space<hbm>> -> memref<10240x64xbf16, #tpu.memory_space<hbm>>
      tpu.wait_indirect_dma semaphore(%arg11 : memref<!tpu.dma_semaphore, #tpu.memory_space<semaphore_mem>>) src(%dma_wait3A_83 : memref<10240x64xbf16, #tpu.memory_space<hbm>>) dst(%arg10 : memref<128x64xbf16, #tpu.memory_space<vmem>>)
      "tpu.region"() ({
        %run_scoped3A = tpu.sem_alloc : memref<!tpu.dma_semaphore, #tpu.memory_space<semaphore_mem>>
        %dma_start3A_84 = arith.constant 0 : i32
        %dma_start3A_85 = tpu.memref_slice %arg9[%scan3A_73, %dma_start3A_84] : memref<79x128xi32, #tpu.memory_space<vmem>> -> memref<1x128xi32, #tpu.memory_space<vmem>>
        %dma_start3A_86 = tpu.memref_squeeze %dma_start3A_85 : memref<1x128xi32, #tpu.memory_space<vmem>> -> memref<128xi32, #tpu.memory_space<vmem>>
        %dma_start3A_87 = arith.constant 0 : i32
        %dma_start3A_88 = arith.constant 0 : i32
        %dma_start3A_89 = tpu.memref_slice %arg7[%dma_start3A_87, %dma_start3A_88] : memref<10240x64xbf16, #tpu.memory_space<vmem_shared>> -> memref<10240x64xbf16, #tpu.memory_space<vmem_shared>>
        tpu.enqueue_indirect_dma source(%arg10 : memref<128x64xbf16, #tpu.memory_space<vmem>>) target(%dma_start3A_89 : memref<10240x64xbf16, #tpu.memory_space<vmem_shared>>) offsets(%dma_start3A_86 : memref<128xi32, #tpu.memory_space<vmem>>) semaphore(%run_scoped3A : memref<!tpu.dma_semaphore, #tpu.memory_space<semaphore_mem>>) {add = true}
        %dma_wait3A_90 = arith.constant 0 : i32
        %dma_wait3A_91 = tpu.memref_slice %arg9[%scan3A_73, %dma_wait3A_90] : memref<79x128xi32, #tpu.memory_space<vmem>> -> memref<1x128xi32, #tpu.memory_space<vmem>>
        %dma_wait3A_92 = tpu.memref_squeeze %dma_wait3A_91 : memref<1x128xi32, #tpu.memory_space<vmem>> -> memref<128xi32, #tpu.memory_space<vmem>>
        %dma_wait3A_93 = arith.constant 0 : i32
        %dma_wait3A_94 = arith.constant 0 : i32
        %dma_wait3A_95 = tpu.memref_slice %arg7[%dma_wait3A_93, %dma_wait3A_94] : memref<10240x64xbf16, #tpu.memory_space<vmem_shared>> -> memref<10240x64xbf16, #tpu.memory_space<vmem_shared>>
        tpu.wait_indirect_dma semaphore(%run_scoped3A : memref<!tpu.dma_semaphore, #tpu.memory_space<semaphore_mem>>) src(%arg10 : memref<128x64xbf16, #tpu.memory_space<vmem>>) dst(%dma_wait3A_95 : memref<10240x64xbf16, #tpu.memory_space<vmem_shared>>)
        tpu.yield
      }) : () -> ()
      "tpu.region"() ({
        %run_scoped3A = tpu.sem_alloc : memref<!tpu.dma_semaphore, #tpu.memory_space<semaphore_mem>>
        %dma_start3A_84 = arith.constant 0 : i32
        %dma_start3A_85 = tpu.memref_slice %arg9[%scan3A_73, %dma_start3A_84] : memref<79x128xi32, #tpu.memory_space<vmem>> -> memref<1x128xi32, #tpu.memory_space<vmem>>
        %dma_start3A_86 = tpu.memref_squeeze %dma_start3A_85 : memref<1x128xi32, #tpu.memory_space<vmem>> -> memref<128xi32, #tpu.memory_space<vmem>>
        %dma_start3A_87 = arith.constant 0 : i32
        %dma_start3A_88 = arith.constant 0 : i32
        %dma_start3A_89 = tpu.memref_slice %arg12[%dma_start3A_87, %dma_start3A_88] : memref<10240x16xf32, #tpu.memory_space<vmem_shared>> -> memref<10240x16xf32, #tpu.memory_space<vmem_shared>>
        tpu.enqueue_indirect_dma source(%arg13 : memref<128x16xf32, #tpu.memory_space<vmem>>) target(%dma_start3A_89 : memref<10240x16xf32, #tpu.memory_space<vmem_shared>>) offsets(%dma_start3A_86 : memref<128xi32, #tpu.memory_space<vmem>>) semaphore(%run_scoped3A : memref<!tpu.dma_semaphore, #tpu.memory_space<semaphore_mem>>) {add = true}
        %dma_wait3A_90 = arith.constant 0 : i32
        %dma_wait3A_91 = tpu.memref_slice %arg9[%scan3A_73, %dma_wait3A_90] : memref<79x128xi32, #tpu.memory_space<vmem>> -> memref<1x128xi32, #tpu.memory_space<vmem>>
        %dma_wait3A_92 = tpu.memref_squeeze %dma_wait3A_91 : memref<1x128xi32, #tpu.memory_space<vmem>> -> memref<128xi32, #tpu.memory_space<vmem>>
        %dma_wait3A_93 = arith.constant 0 : i32
        %dma_wait3A_94 = arith.constant 0 : i32
        %dma_wait3A_95 = tpu.memref_slice %arg12[%dma_wait3A_93, %dma_wait3A_94] : memref<10240x16xf32, #tpu.memory_space<vmem_shared>> -> memref<10240x16xf32, #tpu.memory_space<vmem_shared>>
        tpu.wait_indirect_dma semaphore(%run_scoped3A : memref<!tpu.dma_semaphore, #tpu.memory_space<semaphore_mem>>) src(%arg13 : memref<128x16xf32, #tpu.memory_space<vmem>>) dst(%dma_wait3A_95 : memref<10240x16xf32, #tpu.memory_space<vmem_shared>>)
        tpu.yield
      }) : () -> ()
    }
    %scan3A_63 = arith.constant 79 : i32
    %barrier3A_64 = arith.constant 0 : index
    tpu.barrier barrier_id(%barrier3A_64)
    %mul3A_65 = arith.constant 640 : i32
    %mul3A_66 = arith.muli %arg1, %mul3A_65 : i32
    %mul3A_67 = arith.constant 640 : i32
    %mul3A_68 = arith.muli %arg1, %mul3A_67 : i32
    "tpu.region"() ({
      %run_scoped3A = tpu.sem_alloc : memref<!tpu.dma_semaphore, #tpu.memory_space<semaphore_mem>>
      %dma_start3A = arith.constant 0 : i32
      %dma_start3A_73 = tpu.memref_slice %arg5[%arg0, %mul3A_68, %dma_start3A] : memref<2x10240x64xbf16, #tpu.memory_space<hbm>> -> memref<1x640x64xbf16, #tpu.memory_space<hbm>>
      %dma_start3A_74 = tpu.memref_squeeze %dma_start3A_73 : memref<1x640x64xbf16, #tpu.memory_space<hbm>> -> memref<640x64xbf16, #tpu.memory_space<hbm>>
      %dma_start3A_75 = arith.constant 0 : i32
      %dma_start3A_76 = tpu.memref_slice %arg7[%mul3A_66, %dma_start3A_75] : memref<10240x64xbf16, #tpu.memory_space<vmem_shared>> -> memref<640x64xbf16, #tpu.memory_space<vmem_shared>>
      tpu.enqueue_dma source(%dma_start3A_76 : memref<640x64xbf16, #tpu.memory_space<vmem_shared>>) target(%dma_start3A_74 : memref<640x64xbf16, #tpu.memory_space<hbm>>) target_semaphore(%run_scoped3A : memref<!tpu.dma_semaphore, #tpu.memory_space<semaphore_mem>>)
      %dma_wait3A = arith.constant 0 : i32
      %dma_wait3A_77 = tpu.memref_slice %arg5[%arg0, %mul3A_68, %dma_wait3A] : memref<2x10240x64xbf16, #tpu.memory_space<hbm>> -> memref<1x640x64xbf16, #tpu.memory_space<hbm>>
      %dma_wait3A_78 = tpu.memref_squeeze %dma_wait3A_77 : memref<1x640x64xbf16, #tpu.memory_space<hbm>> -> memref<640x64xbf16, #tpu.memory_space<hbm>>
      %dma_wait3A_79 = arith.constant 0 : i32
      %dma_wait3A_80 = tpu.memref_slice %arg7[%mul3A_66, %dma_wait3A_79] : memref<10240x64xbf16, #tpu.memory_space<vmem_shared>> -> memref<640x64xbf16, #tpu.memory_space<vmem_shared>>
      tpu.wait_dma2 semaphore(%run_scoped3A : memref<!tpu.dma_semaphore, #tpu.memory_space<semaphore_mem>>) src(%dma_wait3A_80 : memref<640x64xbf16, #tpu.memory_space<vmem_shared>>) dst(%dma_wait3A_78 : memref<640x64xbf16, #tpu.memory_space<hbm>>)
      tpu.yield
    }) : () -> ()
    %mul3A_69 = arith.constant 640 : i32
    %mul3A_70 = arith.muli %arg1, %mul3A_69 : i32
    %mul3A_71 = arith.constant 640 : i32
    %mul3A_72 = arith.muli %arg1, %mul3A_71 : i32
    "tpu.region"() ({
      %run_scoped3A = tpu.sem_alloc : memref<!tpu.dma_semaphore, #tpu.memory_space<semaphore_mem>>
      %dma_start3A = arith.constant 0 : i32
      %dma_start3A_73 = tpu.memref_slice %arg6[%arg0, %mul3A_72, %dma_start3A] : memref<2x10240x16xf32, #tpu.memory_space<hbm>> -> memref<1x640x16xf32, #tpu.memory_space<hbm>>
      %dma_start3A_74 = tpu.memref_squeeze %dma_start3A_73 : memref<1x640x16xf32, #tpu.memory_space<hbm>> -> memref<640x16xf32, #tpu.memory_space<hbm>>
      %dma_start3A_75 = arith.constant 0 : i32
      %dma_start3A_76 = tpu.memref_slice %arg12[%mul3A_70, %dma_start3A_75] : memref<10240x16xf32, #tpu.memory_space<vmem_shared>> -> memref<640x16xf32, #tpu.memory_space<vmem_shared>>
      tpu.enqueue_dma source(%dma_start3A_76 : memref<640x16xf32, #tpu.memory_space<vmem_shared>>) target(%dma_start3A_74 : memref<640x16xf32, #tpu.memory_space<hbm>>) target_semaphore(%run_scoped3A : memref<!tpu.dma_semaphore, #tpu.memory_space<semaphore_mem>>)
      %dma_wait3A = arith.constant 0 : i32
      %dma_wait3A_77 = tpu.memref_slice %arg6[%arg0, %mul3A_72, %dma_wait3A] : memref<2x10240x16xf32, #tpu.memory_space<hbm>> -> memref<1x640x16xf32, #tpu.memory_space<hbm>>
      %dma_wait3A_78 = tpu.memref_squeeze %dma_wait3A_77 : memref<1x640x16xf32, #tpu.memory_space<hbm>> -> memref<640x16xf32, #tpu.memory_space<hbm>>
      %dma_wait3A_79 = arith.constant 0 : i32
      %dma_wait3A_80 = tpu.memref_slice %arg12[%mul3A_70, %dma_wait3A_79] : memref<10240x16xf32, #tpu.memory_space<vmem_shared>> -> memref<640x16xf32, #tpu.memory_space<vmem_shared>>
      tpu.wait_dma2 semaphore(%run_scoped3A : memref<!tpu.dma_semaphore, #tpu.memory_space<semaphore_mem>>) src(%dma_wait3A_80 : memref<640x16xf32, #tpu.memory_space<vmem_shared>>) dst(%dma_wait3A_78 : memref<640x16xf32, #tpu.memory_space<hbm>>)
      tpu.yield
    }) : () -> ()
    return
  }
}

#map = affine_map<(d0, d1) -> (0, 0)>
#map1 = affine_map<(d0, d1) -> (0, 0, 0)>
module attributes {stable_mosaic.version = 14 : i64} {
  func.func @body(%arg0: i32, %arg1: i32, %arg2: memref<10240x64xbf16, #tpu.memory_space<hbm>>, %arg3: memref<32x79x128xi32, #tpu.memory_space<hbm>>, %arg4: memref<32x79x128xi32, #tpu.memory_space<hbm>>, %arg5: memref<2x10240x64xbf16, #tpu.memory_space<hbm>>, %arg6: memref<10240x64xbf16, #tpu.memory_space<vmem_shared>>, %arg7: memref<79x128xi32, #tpu.memory_space<vmem>>, %arg8: memref<79x128xi32, #tpu.memory_space<vmem>>, %arg9: memref<128x64xbf16, #tpu.memory_space<vmem>>, %arg10: memref<!tpu.dma_semaphore, #tpu.memory_space<semaphore_mem>>) attributes {dimension_semantics = [#tpu.dimension_semantics<core_parallel>, #tpu.dimension_semantics<subcore_parallel>], iteration_bounds = array<i64: 2, 16>, scalar_prefetch = 0 : i64, scratch_operands = 5 : i64, tpu.core_type = #tpu.core_type<sc_vector_subcore>, window_params = [{transform_indices = #map}, {transform_indices = #map1}, {transform_indices = #map1}, {transform_indices = #map1}]} {
    %mul3A = arith.constant 16 : i32
    %mul3A_0 = arith.muli %arg0, %mul3A : i32
    %add3A = arith.addi %mul3A_0, %arg1 : i32
    %scan3A = arith.constant 0 : i32
    %scan3A_1 = arith.constant 0 : i32
    %scan3A_2 = arith.constant 128 : i32
    %scan3A_3 = arith.addi %scan3A_1, %scan3A_2 : i32
    %scan3A_4 = arith.constant 1 : i32
    scf.for %scan3A_37 = %scan3A_1 to %scan3A_3 step %scan3A_4  : i32 {
      %broadcast_in_dim3A = arith.constant 0.000000e+00 : bf16
      %broadcast_in_dim3A_38 = vector.broadcast %broadcast_in_dim3A : bf16 to vector<32xbf16>
      %swap3A = arith.index_cast %scan3A_37 : i32 to index
      %swap3A_39 = arith.constant 0 : index
      %swap3A_40 = tpu.vector_load %arg9[%swap3A, %swap3A_39] {strides = array<i32>} : memref<128x64xbf16, #tpu.memory_space<vmem>>, vector<1x32xbf16>,
      %swap3A_41 = vector.shape_cast %swap3A_40 : vector<1x32xbf16> to vector<32xbf16>
      %swap3A_42 = vector.shape_cast %broadcast_in_dim3A_38 : vector<32xbf16> to vector<1x32xbf16>
      tpu.vector_store %arg9[%swap3A, %swap3A_39], %swap3A_42 {strides = array<i32>} : memref<128x64xbf16, #tpu.memory_space<vmem>>, vector<1x32xbf16>,
      %broadcast_in_dim3A_43 = arith.constant 0.000000e+00 : bf16
      %broadcast_in_dim3A_44 = vector.broadcast %broadcast_in_dim3A_43 : bf16 to vector<32xbf16>
      %swap3A_45 = arith.index_cast %scan3A_37 : i32 to index
      %swap3A_46 = arith.constant 32 : index
      %swap3A_47 = tpu.vector_load %arg9[%swap3A_45, %swap3A_46] {strides = array<i32>} : memref<128x64xbf16, #tpu.memory_space<vmem>>, vector<1x32xbf16>,
      %swap3A_48 = vector.shape_cast %swap3A_47 : vector<1x32xbf16> to vector<32xbf16>
      %swap3A_49 = vector.shape_cast %broadcast_in_dim3A_44 : vector<32xbf16> to vector<1x32xbf16>
      tpu.vector_store %arg9[%swap3A_45, %swap3A_46], %swap3A_49 {strides = array<i32>} : memref<128x64xbf16, #tpu.memory_space<vmem>>, vector<1x32xbf16>,
    }
    %scan3A_5 = arith.constant 128 : i32
    %mul3A_6 = arith.constant 640 : i32
    %mul3A_7 = arith.muli %arg1, %mul3A_6 : i32
    %add3A_8 = arith.constant 0 : i32
    %add3A_9 = arith.addi %mul3A_7, %add3A_8 : i32
    "tpu.region"() ({
      %run_scoped3A = tpu.sem_alloc : memref<!tpu.dma_semaphore, #tpu.memory_space<semaphore_mem>>
      %dma_start3A = arith.constant 0 : i32
      %dma_start3A_37 = tpu.memref_slice %arg6[%add3A_9, %dma_start3A] : memref<10240x64xbf16, #tpu.memory_space<vmem_shared>> -> memref<128x64xbf16, #tpu.memory_space<vmem_shared>>
      %dma_start3A_38 = arith.constant 0 : i32
      %dma_start3A_39 = tpu.memref_slice %arg6[%add3A_9, %dma_start3A_38] : memref<10240x64xbf16, #tpu.memory_space<vmem_shared>> -> memref<128x64xbf16, #tpu.memory_space<vmem_shared>>
      tpu.enqueue_dma source(%arg9 : memref<128x64xbf16, #tpu.memory_space<vmem>>) target(%dma_start3A_39 : memref<128x64xbf16, #tpu.memory_space<vmem_shared>>) target_semaphore(%run_scoped3A : memref<!tpu.dma_semaphore, #tpu.memory_space<semaphore_mem>>)
      %dma_wait3A = arith.constant 0 : i32
      %dma_wait3A_40 = tpu.memref_slice %arg6[%add3A_9, %dma_wait3A] : memref<10240x64xbf16, #tpu.memory_space<vmem_shared>> -> memref<128x64xbf16, #tpu.memory_space<vmem_shared>>
      %dma_wait3A_41 = arith.constant 0 : i32
      %dma_wait3A_42 = tpu.memref_slice %arg6[%add3A_9, %dma_wait3A_41] : memref<10240x64xbf16, #tpu.memory_space<vmem_shared>> -> memref<128x64xbf16, #tpu.memory_space<vmem_shared>>
      tpu.wait_dma2 semaphore(%run_scoped3A : memref<!tpu.dma_semaphore, #tpu.memory_space<semaphore_mem>>) src(%arg9 : memref<128x64xbf16, #tpu.memory_space<vmem>>) dst(%dma_wait3A_42 : memref<128x64xbf16, #tpu.memory_space<vmem_shared>>)
      tpu.yield
    }) : () -> ()
    %mul3A_10 = arith.constant 640 : i32
    %mul3A_11 = arith.muli %arg1, %mul3A_10 : i32
    %add3A_12 = arith.constant 128 : i32
    %add3A_13 = arith.addi %mul3A_11, %add3A_12 : i32
    "tpu.region"() ({
      %run_scoped3A = tpu.sem_alloc : memref<!tpu.dma_semaphore, #tpu.memory_space<semaphore_mem>>
      %dma_start3A = arith.constant 0 : i32
      %dma_start3A_37 = tpu.memref_slice %arg6[%add3A_13, %dma_start3A] : memref<10240x64xbf16, #tpu.memory_space<vmem_shared>> -> memref<128x64xbf16, #tpu.memory_space<vmem_shared>>
      %dma_start3A_38 = arith.constant 0 : i32
      %dma_start3A_39 = tpu.memref_slice %arg6[%add3A_13, %dma_start3A_38] : memref<10240x64xbf16, #tpu.memory_space<vmem_shared>> -> memref<128x64xbf16, #tpu.memory_space<vmem_shared>>
      tpu.enqueue_dma source(%arg9 : memref<128x64xbf16, #tpu.memory_space<vmem>>) target(%dma_start3A_39 : memref<128x64xbf16, #tpu.memory_space<vmem_shared>>) target_semaphore(%run_scoped3A : memref<!tpu.dma_semaphore, #tpu.memory_space<semaphore_mem>>)
      %dma_wait3A = arith.constant 0 : i32
      %dma_wait3A_40 = tpu.memref_slice %arg6[%add3A_13, %dma_wait3A] : memref<10240x64xbf16, #tpu.memory_space<vmem_shared>> -> memref<128x64xbf16, #tpu.memory_space<vmem_shared>>
      %dma_wait3A_41 = arith.constant 0 : i32
      %dma_wait3A_42 = tpu.memref_slice %arg6[%add3A_13, %dma_wait3A_41] : memref<10240x64xbf16, #tpu.memory_space<vmem_shared>> -> memref<128x64xbf16, #tpu.memory_space<vmem_shared>>
      tpu.wait_dma2 semaphore(%run_scoped3A : memref<!tpu.dma_semaphore, #tpu.memory_space<semaphore_mem>>) src(%arg9 : memref<128x64xbf16, #tpu.memory_space<vmem>>) dst(%dma_wait3A_42 : memref<128x64xbf16, #tpu.memory_space<vmem_shared>>)
      tpu.yield
    }) : () -> ()
    %mul3A_14 = arith.constant 640 : i32
    %mul3A_15 = arith.muli %arg1, %mul3A_14 : i32
    %add3A_16 = arith.constant 256 : i32
    %add3A_17 = arith.addi %mul3A_15, %add3A_16 : i32
    "tpu.region"() ({
      %run_scoped3A = tpu.sem_alloc : memref<!tpu.dma_semaphore, #tpu.memory_space<semaphore_mem>>
      %dma_start3A = arith.constant 0 : i32
      %dma_start3A_37 = tpu.memref_slice %arg6[%add3A_17, %dma_start3A] : memref<10240x64xbf16, #tpu.memory_space<vmem_shared>> -> memref<128x64xbf16, #tpu.memory_space<vmem_shared>>
      %dma_start3A_38 = arith.constant 0 : i32
      %dma_start3A_39 = tpu.memref_slice %arg6[%add3A_17, %dma_start3A_38] : memref<10240x64xbf16, #tpu.memory_space<vmem_shared>> -> memref<128x64xbf16, #tpu.memory_space<vmem_shared>>
      tpu.enqueue_dma source(%arg9 : memref<128x64xbf16, #tpu.memory_space<vmem>>) target(%dma_start3A_39 : memref<128x64xbf16, #tpu.memory_space<vmem_shared>>) target_semaphore(%run_scoped3A : memref<!tpu.dma_semaphore, #tpu.memory_space<semaphore_mem>>)
      %dma_wait3A = arith.constant 0 : i32
      %dma_wait3A_40 = tpu.memref_slice %arg6[%add3A_17, %dma_wait3A] : memref<10240x64xbf16, #tpu.memory_space<vmem_shared>> -> memref<128x64xbf16, #tpu.memory_space<vmem_shared>>
      %dma_wait3A_41 = arith.constant 0 : i32
      %dma_wait3A_42 = tpu.memref_slice %arg6[%add3A_17, %dma_wait3A_41] : memref<10240x64xbf16, #tpu.memory_space<vmem_shared>> -> memref<128x64xbf16, #tpu.memory_space<vmem_shared>>
      tpu.wait_dma2 semaphore(%run_scoped3A : memref<!tpu.dma_semaphore, #tpu.memory_space<semaphore_mem>>) src(%arg9 : memref<128x64xbf16, #tpu.memory_space<vmem>>) dst(%dma_wait3A_42 : memref<128x64xbf16, #tpu.memory_space<vmem_shared>>)
      tpu.yield
    }) : () -> ()
    %mul3A_18 = arith.constant 640 : i32
    %mul3A_19 = arith.muli %arg1, %mul3A_18 : i32
    %add3A_20 = arith.constant 384 : i32
    %add3A_21 = arith.addi %mul3A_19, %add3A_20 : i32
    "tpu.region"() ({
      %run_scoped3A = tpu.sem_alloc : memref<!tpu.dma_semaphore, #tpu.memory_space<semaphore_mem>>
      %dma_start3A = arith.constant 0 : i32
      %dma_start3A_37 = tpu.memref_slice %arg6[%add3A_21, %dma_start3A] : memref<10240x64xbf16, #tpu.memory_space<vmem_shared>> -> memref<128x64xbf16, #tpu.memory_space<vmem_shared>>
      %dma_start3A_38 = arith.constant 0 : i32
      %dma_start3A_39 = tpu.memref_slice %arg6[%add3A_21, %dma_start3A_38] : memref<10240x64xbf16, #tpu.memory_space<vmem_shared>> -> memref<128x64xbf16, #tpu.memory_space<vmem_shared>>
      tpu.enqueue_dma source(%arg9 : memref<128x64xbf16, #tpu.memory_space<vmem>>) target(%dma_start3A_39 : memref<128x64xbf16, #tpu.memory_space<vmem_shared>>) target_semaphore(%run_scoped3A : memref<!tpu.dma_semaphore, #tpu.memory_space<semaphore_mem>>)
      %dma_wait3A = arith.constant 0 : i32
      %dma_wait3A_40 = tpu.memref_slice %arg6[%add3A_21, %dma_wait3A] : memref<10240x64xbf16, #tpu.memory_space<vmem_shared>> -> memref<128x64xbf16, #tpu.memory_space<vmem_shared>>
      %dma_wait3A_41 = arith.constant 0 : i32
      %dma_wait3A_42 = tpu.memref_slice %arg6[%add3A_21, %dma_wait3A_41] : memref<10240x64xbf16, #tpu.memory_space<vmem_shared>> -> memref<128x64xbf16, #tpu.memory_space<vmem_shared>>
      tpu.wait_dma2 semaphore(%run_scoped3A : memref<!tpu.dma_semaphore, #tpu.memory_space<semaphore_mem>>) src(%arg9 : memref<128x64xbf16, #tpu.memory_space<vmem>>) dst(%dma_wait3A_42 : memref<128x64xbf16, #tpu.memory_space<vmem_shared>>)
      tpu.yield
    }) : () -> ()
    %mul3A_22 = arith.constant 640 : i32
    %mul3A_23 = arith.muli %arg1, %mul3A_22 : i32
    %add3A_24 = arith.constant 512 : i32
    %add3A_25 = arith.addi %mul3A_23, %add3A_24 : i32
    "tpu.region"() ({
      %run_scoped3A = tpu.sem_alloc : memref<!tpu.dma_semaphore, #tpu.memory_space<semaphore_mem>>
      %dma_start3A = arith.constant 0 : i32
      %dma_start3A_37 = tpu.memref_slice %arg6[%add3A_25, %dma_start3A] : memref<10240x64xbf16, #tpu.memory_space<vmem_shared>> -> memref<128x64xbf16, #tpu.memory_space<vmem_shared>>
      %dma_start3A_38 = arith.constant 0 : i32
      %dma_start3A_39 = tpu.memref_slice %arg6[%add3A_25, %dma_start3A_38] : memref<10240x64xbf16, #tpu.memory_space<vmem_shared>> -> memref<128x64xbf16, #tpu.memory_space<vmem_shared>>
      tpu.enqueue_dma source(%arg9 : memref<128x64xbf16, #tpu.memory_space<vmem>>) target(%dma_start3A_39 : memref<128x64xbf16, #tpu.memory_space<vmem_shared>>) target_semaphore(%run_scoped3A : memref<!tpu.dma_semaphore, #tpu.memory_space<semaphore_mem>>)
      %dma_wait3A = arith.constant 0 : i32
      %dma_wait3A_40 = tpu.memref_slice %arg6[%add3A_25, %dma_wait3A] : memref<10240x64xbf16, #tpu.memory_space<vmem_shared>> -> memref<128x64xbf16, #tpu.memory_space<vmem_shared>>
      %dma_wait3A_41 = arith.constant 0 : i32
      %dma_wait3A_42 = tpu.memref_slice %arg6[%add3A_25, %dma_wait3A_41] : memref<10240x64xbf16, #tpu.memory_space<vmem_shared>> -> memref<128x64xbf16, #tpu.memory_space<vmem_shared>>
      tpu.wait_dma2 semaphore(%run_scoped3A : memref<!tpu.dma_semaphore, #tpu.memory_space<semaphore_mem>>) src(%arg9 : memref<128x64xbf16, #tpu.memory_space<vmem>>) dst(%dma_wait3A_42 : memref<128x64xbf16, #tpu.memory_space<vmem_shared>>)
      tpu.yield
    }) : () -> ()
    "tpu.region"() ({
      %run_scoped3A = tpu.sem_alloc : memref<!tpu.dma_semaphore, #tpu.memory_space<semaphore_mem>>
      %dma_start3A = arith.constant 0 : i32
      %dma_start3A_37 = arith.constant 0 : i32
      %dma_start3A_38 = tpu.memref_slice %arg3[%add3A, %dma_start3A, %dma_start3A_37] : memref<32x79x128xi32, #tpu.memory_space<hbm>> -> memref<1x79x128xi32, #tpu.memory_space<hbm>>
      %dma_start3A_39 = tpu.memref_squeeze %dma_start3A_38 : memref<1x79x128xi32, #tpu.memory_space<hbm>> -> memref<79x128xi32, #tpu.memory_space<hbm>>
      %dma_start3A_40 = arith.constant 0 : i32
      %dma_start3A_41 = arith.constant 0 : i32
      %dma_start3A_42 = tpu.memref_slice %arg3[%add3A, %dma_start3A_40, %dma_start3A_41] : memref<32x79x128xi32, #tpu.memory_space<hbm>> -> memref<1x79x128xi32, #tpu.memory_space<hbm>>
      %dma_start3A_43 = tpu.memref_squeeze %dma_start3A_42 : memref<1x79x128xi32, #tpu.memory_space<hbm>> -> memref<79x128xi32, #tpu.memory_space<hbm>>
      tpu.enqueue_dma source(%dma_start3A_43 : memref<79x128xi32, #tpu.memory_space<hbm>>) target(%arg7 : memref<79x128xi32, #tpu.memory_space<vmem>>) target_semaphore(%run_scoped3A : memref<!tpu.dma_semaphore, #tpu.memory_space<semaphore_mem>>)
      %dma_wait3A = arith.constant 0 : i32
      %dma_wait3A_44 = arith.constant 0 : i32
      %dma_wait3A_45 = tpu.memref_slice %arg3[%add3A, %dma_wait3A, %dma_wait3A_44] : memref<32x79x128xi32, #tpu.memory_space<hbm>> -> memref<1x79x128xi32, #tpu.memory_space<hbm>>
      %dma_wait3A_46 = tpu.memref_squeeze %dma_wait3A_45 : memref<1x79x128xi32, #tpu.memory_space<hbm>> -> memref<79x128xi32, #tpu.memory_space<hbm>>
      %dma_wait3A_47 = arith.constant 0 : i32
      %dma_wait3A_48 = arith.constant 0 : i32
      %dma_wait3A_49 = tpu.memref_slice %arg3[%add3A, %dma_wait3A_47, %dma_wait3A_48] : memref<32x79x128xi32, #tpu.memory_space<hbm>> -> memref<1x79x128xi32, #tpu.memory_space<hbm>>
      %dma_wait3A_50 = tpu.memref_squeeze %dma_wait3A_49 : memref<1x79x128xi32, #tpu.memory_space<hbm>> -> memref<79x128xi32, #tpu.memory_space<hbm>>
      tpu.wait_dma2 semaphore(%run_scoped3A : memref<!tpu.dma_semaphore, #tpu.memory_space<semaphore_mem>>) src(%dma_wait3A_50 : memref<79x128xi32, #tpu.memory_space<hbm>>) dst(%arg7 : memref<79x128xi32, #tpu.memory_space<vmem>>)
      tpu.yield
    }) : () -> ()
    "tpu.region"() ({
      %run_scoped3A = tpu.sem_alloc : memref<!tpu.dma_semaphore, #tpu.memory_space<semaphore_mem>>
      %dma_start3A = arith.constant 0 : i32
      %dma_start3A_37 = arith.constant 0 : i32
      %dma_start3A_38 = tpu.memref_slice %arg4[%add3A, %dma_start3A, %dma_start3A_37] : memref<32x79x128xi32, #tpu.memory_space<hbm>> -> memref<1x79x128xi32, #tpu.memory_space<hbm>>
      %dma_start3A_39 = tpu.memref_squeeze %dma_start3A_38 : memref<1x79x128xi32, #tpu.memory_space<hbm>> -> memref<79x128xi32, #tpu.memory_space<hbm>>
      %dma_start3A_40 = arith.constant 0 : i32
      %dma_start3A_41 = arith.constant 0 : i32
      %dma_start3A_42 = tpu.memref_slice %arg4[%add3A, %dma_start3A_40, %dma_start3A_41] : memref<32x79x128xi32, #tpu.memory_space<hbm>> -> memref<1x79x128xi32, #tpu.memory_space<hbm>>
      %dma_start3A_43 = tpu.memref_squeeze %dma_start3A_42 : memref<1x79x128xi32, #tpu.memory_space<hbm>> -> memref<79x128xi32, #tpu.memory_space<hbm>>
      tpu.enqueue_dma source(%dma_start3A_43 : memref<79x128xi32, #tpu.memory_space<hbm>>) target(%arg8 : memref<79x128xi32, #tpu.memory_space<vmem>>) target_semaphore(%run_scoped3A : memref<!tpu.dma_semaphore, #tpu.memory_space<semaphore_mem>>)
      %dma_wait3A = arith.constant 0 : i32
      %dma_wait3A_44 = arith.constant 0 : i32
      %dma_wait3A_45 = tpu.memref_slice %arg4[%add3A, %dma_wait3A, %dma_wait3A_44] : memref<32x79x128xi32, #tpu.memory_space<hbm>> -> memref<1x79x128xi32, #tpu.memory_space<hbm>>
      %dma_wait3A_46 = tpu.memref_squeeze %dma_wait3A_45 : memref<1x79x128xi32, #tpu.memory_space<hbm>> -> memref<79x128xi32, #tpu.memory_space<hbm>>
      %dma_wait3A_47 = arith.constant 0 : i32
      %dma_wait3A_48 = arith.constant 0 : i32
      %dma_wait3A_49 = tpu.memref_slice %arg4[%add3A, %dma_wait3A_47, %dma_wait3A_48] : memref<32x79x128xi32, #tpu.memory_space<hbm>> -> memref<1x79x128xi32, #tpu.memory_space<hbm>>
      %dma_wait3A_50 = tpu.memref_squeeze %dma_wait3A_49 : memref<1x79x128xi32, #tpu.memory_space<hbm>> -> memref<79x128xi32, #tpu.memory_space<hbm>>
      tpu.wait_dma2 semaphore(%run_scoped3A : memref<!tpu.dma_semaphore, #tpu.memory_space<semaphore_mem>>) src(%dma_wait3A_50 : memref<79x128xi32, #tpu.memory_space<hbm>>) dst(%arg8 : memref<79x128xi32, #tpu.memory_space<vmem>>)
      tpu.yield
    }) : () -> ()
    %barrier3A = arith.constant 0 : index
    tpu.barrier barrier_id(%barrier3A)
    %scan3A_26 = arith.constant 0 : i32
    %scan3A_27 = arith.constant 0 : i32
    %scan3A_28 = arith.constant 79 : i32
    %scan3A_29 = arith.addi %scan3A_27, %scan3A_28 : i32
    %scan3A_30 = arith.constant 1 : i32
    scf.for %scan3A_37 = %scan3A_27 to %scan3A_29 step %scan3A_30  : i32 {
      %dma_start3A = arith.constant 0 : i32
      %dma_start3A_38 = tpu.memref_slice %arg7[%scan3A_37, %dma_start3A] : memref<79x128xi32, #tpu.memory_space<vmem>> -> memref<1x128xi32, #tpu.memory_space<vmem>>
      %dma_start3A_39 = tpu.memref_squeeze %dma_start3A_38 : memref<1x128xi32, #tpu.memory_space<vmem>> -> memref<128xi32, #tpu.memory_space<vmem>>
      %dma_start3A_40 = arith.constant 0 : i32
      %dma_start3A_41 = arith.constant 0 : i32
      %dma_start3A_42 = tpu.memref_slice %arg2[%dma_start3A_40, %dma_start3A_41] : memref<10240x64xbf16, #tpu.memory_space<hbm>> -> memref<10240x64xbf16, #tpu.memory_space<hbm>>
      tpu.enqueue_indirect_dma source(%dma_start3A_42 : memref<10240x64xbf16, #tpu.memory_space<hbm>>) target(%arg9 : memref<128x64xbf16, #tpu.memory_space<vmem>>) offsets(%dma_start3A_39 : memref<128xi32, #tpu.memory_space<vmem>>) semaphore(%arg10 : memref<!tpu.dma_semaphore, #tpu.memory_space<semaphore_mem>>)
      %dma_wait3A = arith.constant 0 : i32
      %dma_wait3A_43 = tpu.memref_slice %arg7[%scan3A_37, %dma_wait3A] : memref<79x128xi32, #tpu.memory_space<vmem>> -> memref<1x128xi32, #tpu.memory_space<vmem>>
      %dma_wait3A_44 = tpu.memref_squeeze %dma_wait3A_43 : memref<1x128xi32, #tpu.memory_space<vmem>> -> memref<128xi32, #tpu.memory_space<vmem>>
      %dma_wait3A_45 = arith.constant 0 : i32
      %dma_wait3A_46 = arith.constant 0 : i32
      %dma_wait3A_47 = tpu.memref_slice %arg2[%dma_wait3A_45, %dma_wait3A_46] : memref<10240x64xbf16, #tpu.memory_space<hbm>> -> memref<10240x64xbf16, #tpu.memory_space<hbm>>
      tpu.wait_indirect_dma semaphore(%arg10 : memref<!tpu.dma_semaphore, #tpu.memory_space<semaphore_mem>>) src(%dma_wait3A_47 : memref<10240x64xbf16, #tpu.memory_space<hbm>>) dst(%arg9 : memref<128x64xbf16, #tpu.memory_space<vmem>>)
      "tpu.region"() ({
        %run_scoped3A = tpu.sem_alloc : memref<!tpu.dma_semaphore, #tpu.memory_space<semaphore_mem>>
        %dma_start3A_48 = arith.constant 0 : i32
        %dma_start3A_49 = tpu.memref_slice %arg8[%scan3A_37, %dma_start3A_48] : memref<79x128xi32, #tpu.memory_space<vmem>> -> memref<1x128xi32, #tpu.memory_space<vmem>>
        %dma_start3A_50 = tpu.memref_squeeze %dma_start3A_49 : memref<1x128xi32, #tpu.memory_space<vmem>> -> memref<128xi32, #tpu.memory_space<vmem>>
        %dma_start3A_51 = arith.constant 0 : i32
        %dma_start3A_52 = arith.constant 0 : i32
        %dma_start3A_53 = tpu.memref_slice %arg6[%dma_start3A_51, %dma_start3A_52] : memref<10240x64xbf16, #tpu.memory_space<vmem_shared>> -> memref<10240x64xbf16, #tpu.memory_space<vmem_shared>>
        tpu.enqueue_indirect_dma source(%arg9 : memref<128x64xbf16, #tpu.memory_space<vmem>>) target(%dma_start3A_53 : memref<10240x64xbf16, #tpu.memory_space<vmem_shared>>) offsets(%dma_start3A_50 : memref<128xi32, #tpu.memory_space<vmem>>) semaphore(%run_scoped3A : memref<!tpu.dma_semaphore, #tpu.memory_space<semaphore_mem>>) {add = true}
        %dma_wait3A_54 = arith.constant 0 : i32
        %dma_wait3A_55 = tpu.memref_slice %arg8[%scan3A_37, %dma_wait3A_54] : memref<79x128xi32, #tpu.memory_space<vmem>> -> memref<1x128xi32, #tpu.memory_space<vmem>>
        %dma_wait3A_56 = tpu.memref_squeeze %dma_wait3A_55 : memref<1x128xi32, #tpu.memory_space<vmem>> -> memref<128xi32, #tpu.memory_space<vmem>>
        %dma_wait3A_57 = arith.constant 0 : i32
        %dma_wait3A_58 = arith.constant 0 : i32
        %dma_wait3A_59 = tpu.memref_slice %arg6[%dma_wait3A_57, %dma_wait3A_58] : memref<10240x64xbf16, #tpu.memory_space<vmem_shared>> -> memref<10240x64xbf16, #tpu.memory_space<vmem_shared>>
        tpu.wait_indirect_dma semaphore(%run_scoped3A : memref<!tpu.dma_semaphore, #tpu.memory_space<semaphore_mem>>) src(%arg9 : memref<128x64xbf16, #tpu.memory_space<vmem>>) dst(%dma_wait3A_59 : memref<10240x64xbf16, #tpu.memory_space<vmem_shared>>)
        tpu.yield
      }) : () -> ()
    }
    %scan3A_31 = arith.constant 79 : i32
    %barrier3A_32 = arith.constant 0 : index
    tpu.barrier barrier_id(%barrier3A_32)
    %mul3A_33 = arith.constant 640 : i32
    %mul3A_34 = arith.muli %arg1, %mul3A_33 : i32
    %mul3A_35 = arith.constant 640 : i32
    %mul3A_36 = arith.muli %arg1, %mul3A_35 : i32
    "tpu.region"() ({
      %run_scoped3A = tpu.sem_alloc : memref<!tpu.dma_semaphore, #tpu.memory_space<semaphore_mem>>
      %dma_start3A = arith.constant 0 : i32
      %dma_start3A_37 = tpu.memref_slice %arg5[%arg0, %mul3A_36, %dma_start3A] : memref<2x10240x64xbf16, #tpu.memory_space<hbm>> -> memref<1x640x64xbf16, #tpu.memory_space<hbm>>
      %dma_start3A_38 = tpu.memref_squeeze %dma_start3A_37 : memref<1x640x64xbf16, #tpu.memory_space<hbm>> -> memref<640x64xbf16, #tpu.memory_space<hbm>>
      %dma_start3A_39 = arith.constant 0 : i32
      %dma_start3A_40 = tpu.memref_slice %arg6[%mul3A_34, %dma_start3A_39] : memref<10240x64xbf16, #tpu.memory_space<vmem_shared>> -> memref<640x64xbf16, #tpu.memory_space<vmem_shared>>
      tpu.enqueue_dma source(%dma_start3A_40 : memref<640x64xbf16, #tpu.memory_space<vmem_shared>>) target(%dma_start3A_38 : memref<640x64xbf16, #tpu.memory_space<hbm>>) target_semaphore(%run_scoped3A : memref<!tpu.dma_semaphore, #tpu.memory_space<semaphore_mem>>)
      %dma_wait3A = arith.constant 0 : i32
      %dma_wait3A_41 = tpu.memref_slice %arg5[%arg0, %mul3A_36, %dma_wait3A] : memref<2x10240x64xbf16, #tpu.memory_space<hbm>> -> memref<1x640x64xbf16, #tpu.memory_space<hbm>>
      %dma_wait3A_42 = tpu.memref_squeeze %dma_wait3A_41 : memref<1x640x64xbf16, #tpu.memory_space<hbm>> -> memref<640x64xbf16, #tpu.memory_space<hbm>>
      %dma_wait3A_43 = arith.constant 0 : i32
      %dma_wait3A_44 = tpu.memref_slice %arg6[%mul3A_34, %dma_wait3A_43] : memref<10240x64xbf16, #tpu.memory_space<vmem_shared>> -> memref<640x64xbf16, #tpu.memory_space<vmem_shared>>
      tpu.wait_dma2 semaphore(%run_scoped3A : memref<!tpu.dma_semaphore, #tpu.memory_space<semaphore_mem>>) src(%dma_wait3A_44 : memref<640x64xbf16, #tpu.memory_space<vmem_shared>>) dst(%dma_wait3A_42 : memref<640x64xbf16, #tpu.memory_space<hbm>>)
      tpu.yield
    }) : () -> ()
    return
  }
}

module attributes {stable_mosaic.version = 14 : i64} {
  func.func @_dense_a_body(%arg0: memref<10240x128xf32, #tpu.memory_space<vmem>>, %arg1: memref<128x64xf32, #tpu.memory_space<vmem>>, %arg2: memref<128x64xf32, #tpu.memory_space<vmem>>, %arg3: memref<10240x64xbf16, #tpu.memory_space<vmem>>, %arg4: memref<10240x64xf32, #tpu.memory_space<vmem>>) attributes {dimension_semantics = [], scalar_prefetch = 0 : i64, scratch_operands = 0 : i64, tpu.core_type = #tpu.core_type<tc>} {
    %get3A = arith.constant 0 : index
    %get3A_0 = arith.constant 0 : index
    %get3A_1 = vector.load %arg0[%get3A, %get3A_0] : memref<10240x128xf32, #tpu.memory_space<vmem>>, vector<10240x128xf32>
    %get3A_2 = arith.constant 0 : index
    %get3A_3 = arith.constant 0 : index
    %get3A_4 = vector.load %arg1[%get3A_2, %get3A_3] : memref<128x64xf32, #tpu.memory_space<vmem>>, vector<128x64xf32>
    %dot_general3A = arith.constant dense<0.000000e+00> : vector<10240x64xf32>
    %dot_general3A_5 = tpu.matmul %get3A_1, %get3A_4, %dot_general3A {dimension_numbers = #tpu.dot_dimension_numbers<[1], [0], [0], [1], [0, 0, 1, 1], [], []>, transpose_lhs_hint = false} : vector<10240x128xf32>, vector<128x64xf32>, vector<10240x64xf32> -> vector<10240x64xf32>
    %convert_element_type3A = arith.truncf %dot_general3A_5 : vector<10240x64xf32> to vector<10240x64xbf16>
    %swap3A = arith.constant 0 : index
    %swap3A_6 = arith.constant 0 : index
    %swap3A_7 = vector.load %arg3[%swap3A, %swap3A_6] : memref<10240x64xbf16, #tpu.memory_space<vmem>>, vector<10240x64xbf16>
    tpu.vector_store %arg3[%swap3A, %swap3A_6], %convert_element_type3A {strides = array<i32>} : memref<10240x64xbf16, #tpu.memory_space<vmem>>, vector<10240x64xbf16>,
    %get3A_8 = arith.constant 0 : index
    %get3A_9 = arith.constant 0 : index
    %get3A_10 = vector.load %arg2[%get3A_8, %get3A_9] : memref<128x64xf32, #tpu.memory_space<vmem>>, vector<128x64xf32>
    %dot_general3A_11 = arith.constant dense<0.000000e+00> : vector<10240x64xf32>
    %dot_general3A_12 = tpu.matmul %get3A_1, %get3A_10, %dot_general3A_11 {dimension_numbers = #tpu.dot_dimension_numbers<[1], [0], [0], [1], [0, 0, 1, 1], [], []>, transpose_lhs_hint = false} : vector<10240x128xf32>, vector<128x64xf32>, vector<10240x64xf32> -> vector<10240x64xf32>
    %swap3A_13 = arith.constant 0 : index
    %swap3A_14 = arith.constant 0 : index
    %swap3A_15 = vector.load %arg4[%swap3A_13, %swap3A_14] : memref<10240x64xf32, #tpu.memory_space<vmem>>, vector<10240x64xf32>
    tpu.vector_store %arg4[%swap3A_13, %swap3A_14], %dot_general3A_12 {strides = array<i32>} : memref<10240x64xf32, #tpu.memory_space<vmem>>, vector<10240x64xf32>,
    return
  }
}

module attributes {stable_mosaic.version = 14 : i64} {
  func.func @_dense_b_body(%arg0: memref<10240x64xbf16, #tpu.memory_space<vmem>>, %arg1: memref<10240x64xbf16, #tpu.memory_space<vmem>>, %arg2: memref<10240x1xf32, #tpu.memory_space<vmem>>, %arg3: memref<10240x1xf32, #tpu.memory_space<vmem>>, %arg4: memref<10240x64xf32, #tpu.memory_space<vmem>>, %arg5: memref<1x64xf32, #tpu.memory_space<vmem>>, %arg6: memref<64x64xf32, #tpu.memory_space<vmem>>, %arg7: memref<64x64xf32, #tpu.memory_space<vmem>>, %arg8: memref<10240x64xf32, #tpu.memory_space<vmem>>, %arg9: memref<10240x64xbf16, #tpu.memory_space<vmem>>, %arg10: memref<10240x64xf32, #tpu.memory_space<vmem>>, %arg11: memref<10240x1xf32, #tpu.memory_space<vmem>>) attributes {dimension_semantics = [], scalar_prefetch = 0 : i64, scratch_operands = 0 : i64, tpu.core_type = #tpu.core_type<tc>} {
    %get3A = arith.constant 0 : index
    %get3A_0 = arith.constant 0 : index
    %get3A_1 = vector.load %arg2[%get3A, %get3A_0] : memref<10240x1xf32, #tpu.memory_space<vmem>>, vector<10240x1xf32>
    %get3A_2 = arith.constant 0 : index
    %get3A_3 = arith.constant 0 : index
    %get3A_4 = vector.load %arg3[%get3A_2, %get3A_3] : memref<10240x1xf32, #tpu.memory_space<vmem>>, vector<10240x1xf32>
    %add3A = arith.addf %get3A_1, %get3A_4 : vector<10240x1xf32>
    %max3A = arith.constant 1.000000e+00 : f32
    %max3A_5 = vector.broadcast %max3A : f32 to vector<10240x1xf32>
    %max3A_6 = arith.maximumf %add3A, %max3A_5 : vector<10240x1xf32>
    %div3A = arith.constant 1.000000e+00 : f32
    %div3A_7 = vector.broadcast %div3A : f32 to vector<10240x1xf32>
    %div3A_8 = arith.divf %div3A_7, %max3A_6 : vector<10240x1xf32>
    %get3A_9 = arith.constant 0 : index
    %get3A_10 = arith.constant 0 : index
    %get3A_11 = vector.load %arg0[%get3A_9, %get3A_10] : memref<10240x64xbf16, #tpu.memory_space<vmem>>, vector<10240x64xbf16>
    %convert_element_type3A = arith.extf %get3A_11 : vector<10240x64xbf16> to vector<10240x64xf32>
    %get3A_12 = arith.constant 0 : index
    %get3A_13 = arith.constant 0 : index
    %get3A_14 = vector.load %arg1[%get3A_12, %get3A_13] : memref<10240x64xbf16, #tpu.memory_space<vmem>>, vector<10240x64xbf16>
    %convert_element_type3A_15 = arith.extf %get3A_14 : vector<10240x64xbf16> to vector<10240x64xf32>
    %add3A_16 = arith.addf %convert_element_type3A, %convert_element_type3A_15 : vector<10240x64xf32>
    %mul3A = vector.broadcast %div3A_8 : vector<10240x1xf32> to vector<10240x64xf32>
    %mul3A_17 = arith.mulf %add3A_16, %mul3A : vector<10240x64xf32>
    %get3A_18 = arith.constant 0 : index
    %get3A_19 = arith.constant 0 : index
    %get3A_20 = vector.load %arg4[%get3A_18, %get3A_19] : memref<10240x64xf32, #tpu.memory_space<vmem>>, vector<10240x64xf32>
    %add3A_21 = arith.addf %mul3A_17, %get3A_20 : vector<10240x64xf32>
    %get3A_22 = arith.constant 0 : index
    %get3A_23 = arith.constant 0 : index
    %get3A_24 = vector.load %arg5[%get3A_22, %get3A_23] : memref<1x64xf32, #tpu.memory_space<vmem>>, vector<1x64xf32>
    %add3A_25 = vector.broadcast %get3A_24 : vector<1x64xf32> to vector<10240x64xf32>
    %add3A_26 = arith.addf %add3A_21, %add3A_25 : vector<10240x64xf32>
    %max3A_27 = arith.constant 0.000000e+00 : f32
    %max3A_28 = vector.broadcast %max3A_27 : f32 to vector<10240x64xf32>
    %max3A_29 = arith.maximumf %add3A_26, %max3A_28 : vector<10240x64xf32>
    %swap3A = arith.constant 0 : index
    %swap3A_30 = arith.constant 0 : index
    %swap3A_31 = vector.load %arg8[%swap3A, %swap3A_30] : memref<10240x64xf32, #tpu.memory_space<vmem>>, vector<10240x64xf32>
    tpu.vector_store %arg8[%swap3A, %swap3A_30], %max3A_29 {strides = array<i32>} : memref<10240x64xf32, #tpu.memory_space<vmem>>, vector<10240x64xf32>,
    %get3A_32 = arith.constant 0 : index
    %get3A_33 = arith.constant 0 : index
    %get3A_34 = vector.load %arg6[%get3A_32, %get3A_33] : memref<64x64xf32, #tpu.memory_space<vmem>>, vector<64x64xf32>
    %dot_general3A = arith.constant dense<0.000000e+00> : vector<10240x64xf32>
    %dot_general3A_35 = tpu.matmul %max3A_29, %get3A_34, %dot_general3A {dimension_numbers = #tpu.dot_dimension_numbers<[1], [0], [0], [1], [0, 0, 1, 1], [], []>, transpose_lhs_hint = false} : vector<10240x64xf32>, vector<64x64xf32>, vector<10240x64xf32> -> vector<10240x64xf32>
    %convert_element_type3A_36 = arith.truncf %dot_general3A_35 : vector<10240x64xf32> to vector<10240x64xbf16>
    %swap3A_37 = arith.constant 0 : index
    %swap3A_38 = arith.constant 0 : index
    %swap3A_39 = vector.load %arg9[%swap3A_37, %swap3A_38] : memref<10240x64xbf16, #tpu.memory_space<vmem>>, vector<10240x64xbf16>
    tpu.vector_store %arg9[%swap3A_37, %swap3A_38], %convert_element_type3A_36 {strides = array<i32>} : memref<10240x64xbf16, #tpu.memory_space<vmem>>, vector<10240x64xbf16>,
    %get3A_40 = arith.constant 0 : index
    %get3A_41 = arith.constant 0 : index
    %get3A_42 = vector.load %arg7[%get3A_40, %get3A_41] : memref<64x64xf32, #tpu.memory_space<vmem>>, vector<64x64xf32>
    %dot_general3A_43 = arith.constant dense<0.000000e+00> : vector<10240x64xf32>
    %dot_general3A_44 = tpu.matmul %max3A_29, %get3A_42, %dot_general3A_43 {dimension_numbers = #tpu.dot_dimension_numbers<[1], [0], [0], [1], [0, 0, 1, 1], [], []>, transpose_lhs_hint = false} : vector<10240x64xf32>, vector<64x64xf32>, vector<10240x64xf32> -> vector<10240x64xf32>
    %swap3A_45 = arith.constant 0 : index
    %swap3A_46 = arith.constant 0 : index
    %swap3A_47 = vector.load %arg10[%swap3A_45, %swap3A_46] : memref<10240x64xf32, #tpu.memory_space<vmem>>, vector<10240x64xf32>
    tpu.vector_store %arg10[%swap3A_45, %swap3A_46], %dot_general3A_44 {strides = array<i32>} : memref<10240x64xf32, #tpu.memory_space<vmem>>, vector<10240x64xf32>,
    %swap3A_48 = arith.constant 0 : index
    %swap3A_49 = arith.constant 0 : index
    %swap3A_50 = vector.load %arg11[%swap3A_48, %swap3A_49] : memref<10240x1xf32, #tpu.memory_space<vmem>>, vector<10240x1xf32>
    tpu.vector_store %arg11[%swap3A_48, %swap3A_49], %div3A_8 {strides = array<i32>} : memref<10240x1xf32, #tpu.memory_space<vmem>>, vector<10240x1xf32>,
    return
  }
}

module attributes {stable_mosaic.version = 14 : i64} {
  func.func @_dense_c_body(%arg0: memref<10240x64xbf16, #tpu.memory_space<vmem>>, %arg1: memref<10240x64xbf16, #tpu.memory_space<vmem>>, %arg2: memref<10240x1xf32, #tpu.memory_space<vmem>>, %arg3: memref<10240x64xf32, #tpu.memory_space<vmem>>, %arg4: memref<1x64xf32, #tpu.memory_space<vmem>>, %arg5: memref<10240x64xf32, #tpu.memory_space<vmem>>, %arg6: memref<1x64xf32, #tpu.memory_space<vmem>>, %arg7: memref<1x64xf32, #tpu.memory_space<vmem>>, %arg8: memref<1x1xf32, #tpu.memory_space<vmem>>, %arg9: memref<10240x1xf32, #tpu.memory_space<vmem>>) attributes {dimension_semantics = [], scalar_prefetch = 0 : i64, scratch_operands = 0 : i64, tpu.core_type = #tpu.core_type<tc>} {
    %get3A = arith.constant 0 : index
    %get3A_0 = arith.constant 0 : index
    %get3A_1 = vector.load %arg0[%get3A, %get3A_0] : memref<10240x64xbf16, #tpu.memory_space<vmem>>, vector<10240x64xbf16>
    %convert_element_type3A = arith.extf %get3A_1 : vector<10240x64xbf16> to vector<10240x64xf32>
    %get3A_2 = arith.constant 0 : index
    %get3A_3 = arith.constant 0 : index
    %get3A_4 = vector.load %arg1[%get3A_2, %get3A_3] : memref<10240x64xbf16, #tpu.memory_space<vmem>>, vector<10240x64xbf16>
    %convert_element_type3A_5 = arith.extf %get3A_4 : vector<10240x64xbf16> to vector<10240x64xf32>
    %add3A = arith.addf %convert_element_type3A, %convert_element_type3A_5 : vector<10240x64xf32>
    %get3A_6 = arith.constant 0 : index
    %get3A_7 = arith.constant 0 : index
    %get3A_8 = vector.load %arg2[%get3A_6, %get3A_7] : memref<10240x1xf32, #tpu.memory_space<vmem>>, vector<10240x1xf32>
    %mul3A = vector.broadcast %get3A_8 : vector<10240x1xf32> to vector<10240x64xf32>
    %mul3A_9 = arith.mulf %add3A, %mul3A : vector<10240x64xf32>
    %get3A_10 = arith.constant 0 : index
    %get3A_11 = arith.constant 0 : index
    %get3A_12 = vector.load %arg3[%get3A_10, %get3A_11] : memref<10240x64xf32, #tpu.memory_space<vmem>>, vector<10240x64xf32>
    %add3A_13 = arith.addf %mul3A_9, %get3A_12 : vector<10240x64xf32>
    %get3A_14 = arith.constant 0 : index
    %get3A_15 = arith.constant 0 : index
    %get3A_16 = vector.load %arg4[%get3A_14, %get3A_15] : memref<1x64xf32, #tpu.memory_space<vmem>>, vector<1x64xf32>
    %add3A_17 = vector.broadcast %get3A_16 : vector<1x64xf32> to vector<10240x64xf32>
    %add3A_18 = arith.addf %add3A_13, %add3A_17 : vector<10240x64xf32>
    %max3A = arith.constant 0.000000e+00 : f32
    %max3A_19 = vector.broadcast %max3A : f32 to vector<10240x64xf32>
    %max3A_20 = arith.maximumf %add3A_18, %max3A_19 : vector<10240x64xf32>
    %get3A_21 = arith.constant 0 : index
    %get3A_22 = arith.constant 0 : index
    %get3A_23 = vector.load %arg5[%get3A_21, %get3A_22] : memref<10240x64xf32, #tpu.memory_space<vmem>>, vector<10240x64xf32>
    %get3A_24 = arith.constant 0 : index
    %get3A_25 = arith.constant 0 : index
    %get3A_26 = vector.load %arg6[%get3A_24, %get3A_25] : memref<1x64xf32, #tpu.memory_space<vmem>>, vector<1x64xf32>
    %mul3A_27 = vector.broadcast %get3A_26 : vector<1x64xf32> to vector<10240x64xf32>
    %mul3A_28 = arith.mulf %get3A_23, %mul3A_27 : vector<10240x64xf32>
    %reduce_sum3A = arith.constant dense<0.000000e+00> : vector<10240xf32>
    %reduce_sum3A_29 = vector.multi_reduction <add>, %mul3A_28, %reduce_sum3A [1] : vector<10240x64xf32> to vector<10240xf32>
    %broadcast_in_dim3A = vector.shape_cast %reduce_sum3A_29 : vector<10240xf32> to vector<10240x1xf32>
    %get3A_30 = arith.constant 0 : index
    %get3A_31 = arith.constant 0 : index
    %get3A_32 = vector.load %arg7[%get3A_30, %get3A_31] : memref<1x64xf32, #tpu.memory_space<vmem>>, vector<1x64xf32>
    %mul3A_33 = vector.broadcast %get3A_32 : vector<1x64xf32> to vector<10240x64xf32>
    %mul3A_34 = arith.mulf %max3A_20, %mul3A_33 : vector<10240x64xf32>
    %reduce_sum3A_35 = arith.constant dense<0.000000e+00> : vector<10240xf32>
    %reduce_sum3A_36 = vector.multi_reduction <add>, %mul3A_34, %reduce_sum3A_35 [1] : vector<10240x64xf32> to vector<10240xf32>
    %broadcast_in_dim3A_37 = vector.shape_cast %reduce_sum3A_36 : vector<10240xf32> to vector<10240x1xf32>
    %add3A_38 = arith.addf %broadcast_in_dim3A, %broadcast_in_dim3A_37 : vector<10240x1xf32>
    %get3A_39 = arith.constant 0 : index
    %get3A_40 = arith.constant 0 : index
    %get3A_41 = vector.load %arg8[%get3A_39, %get3A_40] : memref<1x1xf32, #tpu.memory_space<vmem>>, vector<1x1xf32>
    %add3A_42 = vector.broadcast %get3A_41 : vector<1x1xf32> to vector<10240x1xf32>
    %add3A_43 = arith.addf %add3A_38, %add3A_42 : vector<10240x1xf32>
    %logistic3A = arith.negf %add3A_43 : vector<10240x1xf32>
    %logistic3A_44 = math.exp %logistic3A : vector<10240x1xf32>
    %logistic3A_45 = arith.constant 1.000000e+00 : f32
    %logistic3A_46 = vector.broadcast %logistic3A_45 : f32 to vector<10240x1xf32>
    %logistic3A_47 = arith.addf %logistic3A_46, %logistic3A_44 : vector<10240x1xf32>
    %logistic3A_48 = arith.divf %logistic3A_46, %logistic3A_47 : vector<10240x1xf32>
    %swap3A = arith.constant 0 : index
    %swap3A_49 = arith.constant 0 : index
    %swap3A_50 = vector.load %arg9[%swap3A, %swap3A_49] : memref<10240x1xf32, #tpu.memory_space<vmem>>, vector<10240x1xf32>
    tpu.vector_store %arg9[%swap3A, %swap3A_49], %logistic3A_48 {strides = array<i32>} : memref<10240x1xf32, #tpu.memory_space<vmem>>, vector<10240x1xf32>,
    return
  }
}

</mosaic_0001>

<sc_bundles>
// kernel: kernel.10.cloned.1.call-start
scs
__scs_entry_jumppad:
0x0: {  	(pc) =	sbr.rel $0x88, $3  }
0x1: {  	(tag) =	ssettag $0x0;
	lr =	simm.s32 $0x1  }
0x2: {  	[smem:$0x3F97] =	sst lr;
	_ =	strace $0xD0000000  }
0x3: {  	_ = 	snop  }
0x4: {  	_ = 	snop  }
0x5: {  	_ = 	snop  }
0x6: {  	_ = 	snop  }
0x7: {  	_ = 	snop  }
__scs_overlays_trampoline_lowered:
0x8: {  	[smem:$0x3FA6] =	sst s0  }
0x9: {  	[smem:$0x3FA7] =	sst s1  }
0xa: {  	[smem:$0x3FA8] =	sst s2  }
0xb: {  	[smem:$0x3FA9] =	sst s3  }
0xc: {  	[smem:$0x3FAA] =	sst s4  }
0xd: {  	[smem:$0x3FAB] =	sst s5  }
0xe: {  	[smem:$0x3FAC] =	sst s6  }
0xf: {  	[smem:$0x3FAD] =	sst s7  }
0x10: {  	[smem:$0x3FAE] =	sst s8  }
0x11: {  	[smem:$0x3FAF] =	sst s9;
	s0 =	simm.s32 @!p0 $0x0  }
0x12: {  	s1 =	sld [smem:$0x3F95];
	s0 =	simm.s32 @p0 $0x1  }
0x13: {  	[smem:$0x3FB0] =	sst s0;
	s0 =	simm.s32 @!p1 $0x0  }
0x14: {  	s2 =	sld [smem:$0x3F94];
	s0 =	simm.s32 @p1 $0x1  }
0x15: {  	[smem:$0x3FB1] =	sst s0;
	s0 =	simm.s32 @!p2 $0x0  }
0x16: {  	s3 =	sld [smem:$0x3FDB];
	s0 =	simm.s32 @p2 $0x1  }
0x17: {  	s4 =	simm.s32 $0x1BF5;
	[smem:$0x3FB3] =	sst s0  }
0x18: {  	s0 =	sld [smem:$0x3F96];
	_ =	swait.ge [sflag:s4], $0x0  }
0x19: {  	s7 =	sld [smem:$0x3F97]  }
0x1a: {  	s8 =	sadd.s32 $0xFFFFE003, lr  }
0x1b: {  	s9 =	sadd.s32 $0xFFFFFEF7, lr;
	s5 =	simm.s32 $0xFFFFFFFF;
	p2 =	slt.u32 s8, $0xFFFFF086  }
0x1c: {  	p1 =	slt.u32 s9, $0xF7A;
	s5 =	simm.s32 @!p2 $0x0  }
0x1d: {  	s5 =	simm.s32 @p1 $0x1;
	p0 =	seq.s32 s7, s2  }
0x1e: {  	s7 =	smul.u32 @!p0 $0xF7A, s2;
	p2 =	seq.s32 @!p0 s5, $0x0  }
0x1f: {  	s9 =	smul.u32 $0xF7A, s1;
	s8 =	simm.s32 @!p0 $0x1BF5;
	p2 =	por !p2, p0  }
0x20: {  	[sflag:s8] =	ssyncset.s32 @!p0 $0xFFFFF086;
	s6 =	sadd.s32 @!p0 s3, s7;
	s7 =	simm.s32 @!p0 $0x108  }
0x21: {  	s3 =	sadd.s32 s3, s9;
	s6 =	sadd.s32 @!p0 $0x88, s6;
	s7 =	simm.s32 @p2 $0x1082  }
0x22: {  	[simem:s7], [sflag:s8] =	dma.local @!p0 [hbm:s6], $0xF7A  }
0x23: {  	s9 =	sor.u32 $0xD0000000, s2;
	s6 =	simm.s32 $0x108;
	_ =	swait.ge @!p0 [sflag:s8], $0x0  }
0x24: {  	s3 =	sadd.s32 $0x88, s3;
	s6 =	simm.s32 @!p1 $0x1082;
	[sflag:s4] =	ssyncset.s32 $0xFFFFF086  }
0x25: {  	[simem:s6], [sflag:s4] =	dma.local [hbm:s3], $0xF7A  }
0x26: {  	[smem:$0x3F97] =	sst s1;
	(tag) =	ssettag s2;
	_ =	strace s9  }
0x27: {  	s1 =	sld [smem:$0x3FA7]  }
0x28: {  	s2 =	sld [smem:$0x3FA8]  }
0x29: {  	s4 =	sld [smem:$0x3FAA]  }
0x2a: {  	p0 =	seq.s32 s5, $0x0;
	s5 =	sld [smem:$0x3FAB]  }
0x2b: {  	s6 =	sld [smem:$0x3FAC]  }
0x2c: {  	s7 =	sld [smem:$0x3FAD]  }
0x2d: {  	s3 =	simm.s32 $0x108;
	s8 =	sld [smem:$0x3FAE]  }
0x2e: {  	s3 =	simm.s32 @!p0 $0x1082;
	s9 =	sld [smem:$0x3FAF]  }
0x2f: {  	lr =	sadd.s32 s0, s3;
	s0 =	sld [smem:$0x3FA6]  }
0x30: {  	s3 =	sld [smem:$0x3FA9]  }
0x31: {  	[smem:$0x3FB2] =	sst s10  }
0x32: {  	s10 =	sld [smem:$0x3FB0];
	_ =	sdelay $0x3  }
0x33: {  	p0 =	seq.s32 s10, $0x1;
	s10 =	sld [smem:$0x3FB2];
	_ =	sdelay $0x3  }
0x34: {  	[smem:$0x3FB2] =	sst s10  }
0x35: {  	s10 =	sld [smem:$0x3FB1];
	_ =	sdelay $0x3  }
0x36: {  	p1 =	seq.s32 s10, $0x1;
	s10 =	sld [smem:$0x3FB2];
	_ =	sdelay $0x3  }
0x37: {  	[smem:$0x3FB2] =	sst s10  }
0x38: {  	s10 =	sld [smem:$0x3FB3]  }
0x39: {  	_ = 	snop;
	(pc) =	sbr.ind lr, $3  }
0x3a: {  	_ = 	snop  }
0x3b: {  	_ = 	snop  }
0x3c: {  	p2 =	seq.s32 s10, $0x1;
	s10 =	sld [smem:$0x3FB2]  }
0x3d: {  	_ =	shalt  }
0x3e: {  	_ =	shalt  }
0x3f: {  	_ =	shalt  }
0x40: {  	_ =	shalt  }
0x41: {  	_ =	shalt  }
0x42: {  	_ =	shalt  }
0x43: {  	_ =	shalt  }
0x44: {  	_ =	shalt  }
0x45: {  	_ =	shalt  }
0x46: {  	_ =	shalt  }
0x47: {  	_ =	shalt  }
0x48: {  	_ =	shalt  }
0x49: {  	_ =	shalt  }
0x4a: {  	_ =	shalt  }
0x4b: {  	_ =	shalt  }
0x4c: {  	_ =	shalt  }
0x4d: {  	_ =	shalt  }
0x4e: {  	_ =	shalt  }
0x4f: {  	_ =	shalt  }
0x50: {  	_ =	shalt  }
0x51: {  	_ =	shalt  }
0x52: {  	_ =	shalt  }
0x53: {  	_ =	shalt  }
0x54: {  	_ =	shalt  }
0x55: {  	_ =	shalt  }
0x56: {  	_ =	shalt  }
0x57: {  	_ =	shalt  }
0x58: {  	_ =	shalt  }
0x59: {  	_ =	shalt  }
0x5a: {  	_ =	shalt  }
0x5b: {  	_ =	shalt  }
0x5c: {  	_ =	shalt  }
0x5d: {  	_ =	shalt  }
0x5e: {  	_ =	shalt  }
0x5f: {  	_ =	shalt  }
0x60: {  	_ =	shalt  }
0x61: {  	_ =	shalt  }
0x62: {  	_ =	shalt  }
0x63: {  	_ =	shalt  }
0x64: {  	_ =	shalt  }
0x65: {  	_ =	shalt  }
0x66: {  	_ =	shalt  }
0x67: {  	_ =	shalt  }
0x68: {  	_ =	shalt  }
0x69: {  	_ =	shalt  }
0x6a: {  	_ =	shalt  }
0x6b: {  	_ =	shalt  }
0x6c: {  	_ =	shalt  }
0x6d: {  	_ =	shalt  }
0x6e: {  	_ =	shalt  }
0x6f: {  	_ =	shalt  }
0x70: {  	_ =	shalt  }
0x71: {  	_ =	shalt  }
0x72: {  	_ =	shalt  }
0x73: {  	_ =	shalt  }
0x74: {  	_ =	shalt  }
0x75: {  	_ =	shalt  }
0x76: {  	_ =	shalt  }
0x77: {  	_ =	shalt  }
0x78: {  	_ =	shalt  }
0x79: {  	_ =	shalt  }
0x7a: {  	_ =	shalt  }
0x7b: {  	_ =	shalt  }
0x7c: {  	_ =	shalt  }
0x7d: {  	_ =	shalt  }
0x7e: {  	_ =	shalt  }
0x7f: {  	_ =	shalt  }
0x80: {  	_ =	shalt  }
0x81: {  	_ =	shalt  }
0x82: {  	_ =	shalt  }
0x83: {  	_ =	shalt  }
0x84: {  	_ =	shalt  }
0x85: {  	_ =	shalt  }
0x86: {  	_ =	shalt  }
0x87: {  	_ =	shalt  }
.Lfunc_end0:
.L_simem_size_0:
called_computation.1_lowered:
.L_overlay_start_0:
0x88: {  	s2 =	sld [smem:$0x3FD9]  }
0x89: {  	s3 =	sld [smem:$0x3FFE];
	_ =	sdelay $0x1  }
0x8a: {  	s1 =	srdreg.scid  }
0x8b: {  	s0 =	sand.u32 $0x1, s1  }
0x8c: {  	s16 =	sshll.u32 s0, $0xA;
	s2 =	sadd.s32 s3, s2  }
0x8d: {  	s2 =	sadd.s32 s2, s16  }
0x8e: {  	[smem:$0x3FBE] =	sst s2  }
0x8f: {  	_ = 	snop  }
0x90: {  	(tm) =	ssettm $0x1  }
0x91: {  	s17 =	sld [smem:$0x3FFB];
	_ =	sdelay $0x3  }
0x92: {  	_ =	strace s17  }
0x93: {  	s2 =	sld [smem:$0x3FFC];
	_ =	sdelay $0x3  }
0x94: {  	_ =	strace s2  }
0x95: {  	s2 =	sld [smem:$0x3FFD];
	_ =	sdelay $0x3  }
0x96: {  	_ =	strace s2  }
0x97: {  	_ =	strace $0x8FFFFFFF  }
0x98: {  	s18 =	sld [smem:$0x3FDB];
	_ =	sdelay $0x1  }
0x99: {  	s19 =	simm.s32 $_scs_section_size  }
0x9a: {  	s4 =	simm.s32 $_size__tile_overlayer_lowered;
	s5 =	simm.s32 $_tile_overlayer_lowered  }
0x9b: {  	s22 =	simm.s32 $0x1BFF;
	s21 =	sshll.u32 s5, $0x1;
	s2 =	sadd.s32 s19, s18  }
0x9c: {  	s6 =	simm.s32 $0x0;
	s20 =	sshll.u32 s4, $0x1;
	s4 =	sadd.s32 s21, s2  }
0x9d: {  	[timem:s6], [sflag:s22] =	dma.local [hbm:s4], s20  }
0x9e: {  	_ =	swait.ge [sflag:s22], s20  }
0x9f: {  	s3 =	ssub.s32 $0x0, s20;
	[sflag:s22] =	ssyncset.done $0x0  }
0xa0: {  	[sflag:s22] =	ssyncadd.s32 s3;
	_ =	sdelay $0x1  }
0xa1: {  	s23 =	simm.s32 $0x1B8B  }
0xa2: {  	_ =	swait.ge [sflag:s23], $0x1  }
0xa3: {  	[sflag:s23] =	ssyncset.done $0x0  }
0xa4: {  	s25 =	simm.s32 $0x1B8E;
	s24 =	sld [smem:$0x3FFE];
	[sflag:s23] =	ssyncadd.s32 $0xFFFFFFFF  }
0xa5: {  	s26 =	simm.s32 $execute0_lowered;
	[smem:$0x3FD2] =	sst s25  }
0xa6: {  	s4 =	sshll.u32 s26, $0x1;
	_ =	strace $0x80000049;
	[dreg:$0x1] =	wrdreg $0xFFFFFFFF  }
0xa7: {  	s28 =	simm.s32 $_size_execute0_lowered;
	s2 =	sadd.s32 s2, s4;
	[dreg:$0x0] =	wrdreg $0x0  }
0xa8: {  	s4 =	sshll.u32 s28, $0x1;
	[dreg:$0x2] =	wrdreg s2  }
0xa9: {  	[dreg:$0x3] =	wrdreg s4  }
0xaa: {  	[dreg:$0x4] =	wrdreg $0xC0  }
0xab: {  	_ =	task [dreg:s6], $0x5FFFF  }
0xac: {  	[dreg:$0x1] =	wrdreg $0xFFFFFFFF  }
0xad: {  	[dreg:$0x0] =	wrdreg $0x60  }
0xae: {  	[dreg:$0x2] =	wrdreg s24  }
0xaf: {  	[dreg:$0x3] =	wrdreg $0x0  }
0xb0: {  	[dreg:$0x4] =	wrdreg $0x9  }
0xb1: {  	_ =	task.clear_ibuf [dreg:s6], $0x5FFFF;
	_ =	strace $0x90000049  }
0xb2: {  	s29 =	simm.s32 $0x9;
	_ =	strace $0x8000004B  }
0xb3: {  	_ =	swait.ge [sflag:s29], $0x1  }
0xb4: {  	[sflag:s29] =	ssyncadd.s32 $0xFFFFFFFF  }
0xb5: {  	_ =	strace $0x9000004B  }
0xb6: {  	_ =	sfence  }
0xb7: {  	s30 =	sld [smem:$0x0];
	_ =	sdelay $0x2  }
0xb8: {  	s31 =	sshll.u32 s1, $0xD;
	s1 =	sshrl.u32 s1, $0x2  }
0xb9: {  	s3 =	sand.u32 $0x4000, s31;
	s1 =	sadd.s32 s1, s30  }
0xba: {  	s0 =	sor.u32 s3, s0;
	s1 =	sshll.u32 s1, $0x11  }
0xbb: {  	s0 =	sor.u32 s1, s0  }
0xbc: {  	s0 =	sadd.s32 $0x8F2B, s0  }
0xbd: {  	[sflag:s0] =	ssyncadd.remote.s32 $0x1  }
0xbe: {  	_ =	sfence.sel $0xFFFF  }
0xbf: {  	[dreg:$0x0] =	wrdreg $0xFFFFFFFF;
	(pc) =	sbr.abs _section_cstart, $3  }
0xc0: {  	[dreg:$0x1] =	wrdreg $0xFFFFFFFF  }
0xc1: {  	_ =	task.clear_ibuf [dreg:s6], $0x2FFFF;
	_ =	strace $0x9FFFFFFF  }
0xc2: {  	(tm) =	ssettm $0x7FFFFFFF  }
0xc3: {  	_ =	shalt  }
tec
execute0_lowered:
.L_overlay_start_1:
0x0: {  	(tag) =	ssettag $0x1  }
0x1: {  	s5 =	rddreg [dreg:$0x0]  }
0x2: {  	s2 =	rddreg [dreg:$0x1];
	s3 =	srdreg.scid  }
0x3: {  	s0 =	rddreg [dreg:$0x2];
	s1 =	stileid.u32  }
0x4: {  	s14 =	simm.s32 $0x9F00;
	s15 =	simm.s32 $0x2;
	s16 =	simm.s32 $0x5000  }
0x5: {  	s17 =	simm.s32 $0x7780;
	s18 =	simm.s32 $0x80;
	s19 =	simm.s32 $0x1  }
0x6: {  	s6 =	sand.u32 $0x1, s3;
	s3 =	simm.s32 $0x0;
	s7 =	smul.u32 $0xA000, s1  }
0x7: {  	s10 =	smul.u32 $0x14000, s1;
	s4 =	sshll.u32 s6, $0x4;
	[smem:$0x7FF] =	sst s3  }
0x8: {  	s8 =	smul.u32 $0xA0000, s6;
	s6 =	ssub.s32 $0x2, s6;
	s4 =	sor.u32 s1, s4  }
0x9: {  	_ =	strace $0x8000004A;
	s28 =	sshrl.u32 s6, $0x1;
	s29 =	sshrl.u32 s10, $0x2  }
0xa: {  	s30 =	sshrl.u32 s7, $0x1;
	s9 =	smul.u32 $0x4F0, s4;
	s4 =	sadd.s32 $0x2A800, s5  }
0xb: {  	s8 =	sadd.s32 s7, s8;
	s13 =	ssub.s32 s6, s28;
	s31 =	sadd.s32 s29, s2  }
0xc: {  	s8 =	sshrl.u32 s8, $0x4;
	s6 =	sadd.s32 $0x1000, s31;
	s7 =	sadd.s32 $0x2000, s31  }
0xd: {  	s13 =	smax.u32 s13, $0x1;
	s11 =	sadd.s32 s9, s5;
	s12 =	sadd.s32 s8, s5  }
0xe: {  	s5 =	sadd.s32 s30, s2;
	s8 =	sadd.s32 $0x3000, s31;
	s9 =	sadd.s32 $0x4000, s31  }
0xf: {  	v0 =	vimm.bf16 $0.0e+00;
	s10 =	sadd.s32 $0x3E600, s11;
	s11 =	sadd.s32 $0x34800, s11;
	s12 =	sadd.s32 $0x48400, s12  }
.LBB2_1:
0x10: {  	s20 =	simm.s32 $0x80;
	s21 =	simm.s32 $0x0  }
.LBB2_2:
0x11: {  	p0 =	sne.s32 s20, $0x3F80;
	[tilespmem:s21+$0x9F00] =	vst v0;
	s22 =	smov.u32 s20;
	s20 =	sadd.s32 $0x80, s20  }
.Ltmp0:
0x12: {  	[tilespmem:s21+$0x9F10] =	vst v0;
	(pc) =	sbr.rel @p0 .LBB2_2-.Ltmp0, $2  }
0x13: {  	_ =	sdelay $0x2  }
0x14: {  	s21 =	sshra.s32 s22, $0x2  }
0x15: {  	[tilespmem:s21+$0x9F00] =	vst v0  }
0x16: {  	[tilespmem:s21+$0x9F10] =	vst v0  }
0x17: {  	[spmem:s5] =	stream.linear.scatter [tilespmem:s14], [sflag:$0x2], $0x1000, $0x38;
	[tilespmem:$0xAF00] =	vst v63  }
0x18: {  	_ =	swait.ge [sflag:s15], $0x1000  }
0x19: {  	[sflag:s15] =	ssyncset.done $0x0  }
0x1a: {  	[sflag:s15] =	ssyncadd.s32 $0xFFFFF000  }
0x1b: {  	[spmem:s6] =	stream.linear.scatter [tilespmem:s14], [sflag:$0x2], $0x1000, $0x38;
	[tilespmem:$0xAF00] =	vst v63  }
0x1c: {  	_ =	swait.ge [sflag:s15], $0x1000  }
0x1d: {  	[sflag:s15] =	ssyncset.done $0x0  }
0x1e: {  	[sflag:s15] =	ssyncadd.s32 $0xFFFFF000  }
0x1f: {  	[spmem:s7] =	stream.linear.scatter [tilespmem:s14], [sflag:$0x2], $0x1000, $0x38;
	[tilespmem:$0xAF00] =	vst v63  }
0x20: {  	_ =	swait.ge [sflag:s15], $0x1000  }
0x21: {  	[sflag:s15] =	ssyncset.done $0x0  }
0x22: {  	[sflag:s15] =	ssyncadd.s32 $0xFFFFF000  }
0x23: {  	[spmem:s8] =	stream.linear.scatter [tilespmem:s14], [sflag:$0x2], $0x1000, $0x38;
	[tilespmem:$0xAF00] =	vst v63  }
0x24: {  	_ =	swait.ge [sflag:s15], $0x1000  }
0x25: {  	[sflag:s15] =	ssyncset.done $0x0  }
0x26: {  	[sflag:s15] =	ssyncadd.s32 $0xFFFFF000  }
0x27: {  	[spmem:s9] =	stream.linear.scatter [tilespmem:s14], [sflag:$0x2], $0x1000, $0x38;
	[tilespmem:$0xAF00] =	vst v63  }
0x28: {  	_ =	swait.ge [sflag:s15], $0x1000  }
0x29: {  	[sflag:s15] =	ssyncset.done $0x0  }
0x2a: {  	s20 =	simm.s32 $0x0;
	[sflag:s15] =	ssyncadd.s32 $0xFFFFF000  }
0x2b: {  	[tilespmem:s16], [sflag:$0x2] =	stream.linear.gather [hbm4b:s10+s20], $0x2780, $0x38;
	[tilespmem:$0xAF00] =	vst v63  }
0x2c: {  	_ =	swait.ge [sflag:s15], $0x2780  }
0x2d: {  	[sflag:s15] =	ssyncset.done $0x0  }
0x2e: {  	[sflag:s15] =	ssyncadd.s32 $0xFFFFD880  }
0x2f: {  	[tilespmem:s17], [sflag:$0x2] =	stream.linear.gather [hbm4b:s11+s20], $0x2780, $0x38;
	[tilespmem:$0xAF00] =	vst v63  }
0x30: {  	_ =	swait.ge [sflag:s15], $0x2780  }
0x31: {  	[sflag:s15] =	ssyncset.done $0x0  }
0x32: {  	[sflag:s15] =	ssyncadd.s32 $0xFFFFD880  }
0x33: {  	s30 =	simm.s32 $0x5000;
	[bflag:$0x0] =	sbarrier.arrive $0xFFFF  }
0x34: {  	[tilespmem:s14], [sflag:$0x1] =	stream.indirect.gather [hbm4b:s4+s18], $0x20, s30, s18, $0xb8;
	[tilespmem:$0xAF00] =	vst v63  }
0x35: {  	_ =	swait.ge [sflag:s19], $0x1000  }
0x36: {  	[sflag:s19] =	ssyncset.done $0x0  }
0x37: {  	s31 =	simm.s32 $0x7780;
	[sflag:s19] =	ssyncadd.s32 $0xFFFFF000  }
0x38: {  	[spmem:s2] =	stream.indirect.scatter.add.bf16 [tilespmem:s14], [sflag:$0x2], $0x20, s31, s18, $0xb8;
	[tilespmem:$0xAF00] =	vst v63  }
0x39: {  	_ =	swait.ge [sflag:s15], $0x1000  }
0x3a: {  	s21 =	simm.s32 $0x400;
	s20 =	simm.s32 $0x80;
	[sflag:s15] =	ssyncset.done $0x0  }
.LBB2_4:
0x3b: {  	s22 =	sadd.s32 $0x5000, s20  }
0x3c: {  	[sflag:s15] =	ssyncadd.s32 $0xFFFFF000;
	s23 =	smov.u32 s21;
	s24 =	sadd.s32 $0x200, s21  }
0x3d: {  	[tilespmem:s14], [sflag:$0x1] =	stream.indirect.gather [hbm4b:s4+s18], $0x20, s22, s18, $0xb8;
	[tilespmem:$0xAF00] =	vst v63  }
0x3e: {  	p0 =	sne.s32 s21, $0x9C00;
	_ =	swait.ge [sflag:s19], $0x1000  }
.Ltmp1:
0x3f: {  	[sflag:s19] =	ssyncset.done $0x0;
	(pc) =	sbr.rel @p0 .LBB2_4-.Ltmp1, $4  }
0x40: {  	s20 =	sadd.s32 $0x7780, s20;
	[sflag:s19] =	ssyncadd.s32 $0xFFFFF000  }
0x41: {  	[spmem:s2] =	stream.indirect.scatter.add.bf16 [tilespmem:s14], [sflag:$0x2], $0x20, s20, s18, $0xb8;
	[tilespmem:$0xAF00] =	vst v63  }
0x42: {  	_ =	swait.ge [sflag:s15], $0x1000  }
0x43: {  	s21 =	smov.u32 s24;
	s20 =	sshra.s32 s23, $0x2;
	[sflag:s15] =	ssyncset.done $0x0  }
0x44: {  	s21 =	sadd.s32 $0x5000, s20;
	[sflag:s15] =	ssyncadd.s32 $0xFFFFF000  }
0x45: {  	[tilespmem:s14], [sflag:$0x1] =	stream.indirect.gather [hbm4b:s4+s18], $0x20, s21, s18, $0xb8;
	[tilespmem:$0xAF00] =	vst v63  }
0x46: {  	_ =	swait.ge [sflag:s19], $0x1000  }
0x47: {  	[sflag:s19] =	ssyncset.done $0x0  }
0x48: {  	s29 =	sadd.s32 $0x7780, s20;
	[sflag:s19] =	ssyncadd.s32 $0xFFFFF000  }
0x49: {  	[spmem:s2] =	stream.indirect.scatter.add.bf16 [tilespmem:s14], [sflag:$0x2], $0x20, s29, s18, $0xb8;
	[tilespmem:$0xAF00] =	vst v63  }
0x4a: {  	_ =	swait.ge [sflag:s15], $0x1000  }
0x4b: {  	s30 =	sshll.u32 s1, $0x6;
	s3 =	sadd.s32 $0x1, s3;
	[sflag:s15] =	ssyncset.done $0x0  }
0x4c: {  	s31 =	sshrl.u32 s5, $0x3;
	p0 =	sne.s32 s3, s13;
	[sflag:s15] =	ssyncadd.s32 $0xFFFFF000  }
.Ltmp2:
0x4d: {  	s20 =	sor.u32 $0x1C02, s30;
	[bflag:$0x0] =	sbarrier.arrive $0xFFFF;
	(pc) =	sbr.rel @p0 .LBB2_1-.Ltmp2, $4  }
0x4e: {  	[hbm:s12], [sflag:s20] =	dma.local [spmem:s31], $0xA00  }
0x4f: {  	_ =	swait.ge [sflag:s15], $0xA00  }
0x50: {  	[sflag:s15] =	ssyncset.done $0x0  }
0x51: {  	[sflag:s15] =	ssyncadd.s32 $0xFFFFF600  }
0x52: {  	_ =	sfence.sel $0x180000  }
0x53: {  	[bflag:$0x0] =	sbarrier.arrive $0xFFFF  }
0x54: {  	p0 =	sne.s32 s1, $0x0;
	_ =	strace $0x9000004A  }
0x55: {  	s0 =	sadd.s32 @!p0 $0x100000, s0;
	[bflag:$0x2] =	sbarrier.arrive $0xFFFF  }
0x56: {  	[sflag:s0] =	ssyncadd.tile.s32 @!p0 $0x1;
	_ =	shalt  }
.Lfunc_end2:
_tile_overlayer_lowered:
.L_overlay_start_2:
0x57: {  	(tag) =	ssettag $0x2  }
0x58: {  	s0 =	rddreg [dreg:$0x0];
	s2 =	stileid.u32  }
0x59: {  	s1 =	rddreg [dreg:$0x1];
	p0 =	sne.s32 s2, $0x0  }
0x5a: {  	s3 =	rddreg [dreg:$0x2];
	[bflag:$0x3] =	sbarrier.arrive $0xFFFF;
	s2 =	simm.s32 @!p0 $0x1C02  }
0x5b: {  	[timem:s3], [sflag:s2] =	dma.local @!p0 [hbm:s0], s1  }
0x5c: {  	s0 =	simm.s32 @!p0 $0x2  }
0x5d: {  	_ =	swait.ge @!p0 [sflag:s0], s1  }
0x5e: {  	s1 =	ssub.s32 @!p0 $0x0, s1;
	[sflag:s0] =	ssyncset.done @!p0 $0x0  }
0x5f: {  	[sflag:s0] =	ssyncadd.s32 @!p0 s1  }
0x60: {  	[bflag:$0x3] =	sbarrier.arrive $0xFFFF  }
0x61: {  	_ =	shalt  }

// kernel: kernel.7.cloned.1.call-start
scs
__scs_entry_jumppad:
0x0: {  	(pc) =	sbr.rel $0x88, $3  }
0x1: {  	(tag) =	ssettag $0x0;
	lr =	simm.s32 $0x1  }
0x2: {  	[smem:$0x3F97] =	sst lr;
	_ =	strace $0xD0000000  }
0x3: {  	_ = 	snop  }
0x4: {  	_ = 	snop  }
0x5: {  	_ = 	snop  }
0x6: {  	_ = 	snop  }
0x7: {  	_ = 	snop  }
__scs_overlays_trampoline_lowered:
0x8: {  	[smem:$0x3FA6] =	sst s0  }
0x9: {  	[smem:$0x3FA7] =	sst s1  }
0xa: {  	[smem:$0x3FA8] =	sst s2  }
0xb: {  	[smem:$0x3FA9] =	sst s3  }
0xc: {  	[smem:$0x3FAA] =	sst s4  }
0xd: {  	[smem:$0x3FAB] =	sst s5  }
0xe: {  	[smem:$0x3FAC] =	sst s6  }
0xf: {  	[smem:$0x3FAD] =	sst s7  }
0x10: {  	[smem:$0x3FAE] =	sst s8  }
0x11: {  	[smem:$0x3FAF] =	sst s9;
	s0 =	simm.s32 @!p0 $0x0  }
0x12: {  	s1 =	sld [smem:$0x3F95];
	s0 =	simm.s32 @p0 $0x1  }
0x13: {  	[smem:$0x3FB0] =	sst s0;
	s0 =	simm.s32 @!p1 $0x0  }
0x14: {  	s2 =	sld [smem:$0x3F94];
	s0 =	simm.s32 @p1 $0x1  }
0x15: {  	[smem:$0x3FB1] =	sst s0;
	s0 =	simm.s32 @!p2 $0x0  }
0x16: {  	s3 =	sld [smem:$0x3FDB];
	s0 =	simm.s32 @p2 $0x1  }
0x17: {  	s4 =	simm.s32 $0x1BF5;
	[smem:$0x3FB3] =	sst s0  }
0x18: {  	s0 =	sld [smem:$0x3F96];
	_ =	swait.ge [sflag:s4], $0x0  }
0x19: {  	s7 =	sld [smem:$0x3F97]  }
0x1a: {  	s8 =	sadd.s32 $0xFFFFE003, lr  }
0x1b: {  	s9 =	sadd.s32 $0xFFFFFEF7, lr;
	s5 =	simm.s32 $0xFFFFFFFF;
	p2 =	slt.u32 s8, $0xFFFFF086  }
0x1c: {  	p1 =	slt.u32 s9, $0xF7A;
	s5 =	simm.s32 @!p2 $0x0  }
0x1d: {  	s5 =	simm.s32 @p1 $0x1;
	p0 =	seq.s32 s7, s2  }
0x1e: {  	s7 =	smul.u32 @!p0 $0xF7A, s2;
	p2 =	seq.s32 @!p0 s5, $0x0  }
0x1f: {  	s9 =	smul.u32 $0xF7A, s1;
	s8 =	simm.s32 @!p0 $0x1BF5;
	p2 =	por !p2, p0  }
0x20: {  	[sflag:s8] =	ssyncset.s32 @!p0 $0xFFFFF086;
	s6 =	sadd.s32 @!p0 s3, s7;
	s7 =	simm.s32 @!p0 $0x108  }
0x21: {  	s3 =	sadd.s32 s3, s9;
	s6 =	sadd.s32 @!p0 $0x88, s6;
	s7 =	simm.s32 @p2 $0x1082  }
0x22: {  	[simem:s7], [sflag:s8] =	dma.local @!p0 [hbm:s6], $0xF7A  }
0x23: {  	s9 =	sor.u32 $0xD0000000, s2;
	s6 =	simm.s32 $0x108;
	_ =	swait.ge @!p0 [sflag:s8], $0x0  }
0x24: {  	s3 =	sadd.s32 $0x88, s3;
	s6 =	simm.s32 @!p1 $0x1082;
	[sflag:s4] =	ssyncset.s32 $0xFFFFF086  }
0x25: {  	[simem:s6], [sflag:s4] =	dma.local [hbm:s3], $0xF7A  }
0x26: {  	[smem:$0x3F97] =	sst s1;
	(tag) =	ssettag s2;
	_ =	strace s9  }
0x27: {  	s1 =	sld [smem:$0x3FA7]  }
0x28: {  	s2 =	sld [smem:$0x3FA8]  }
0x29: {  	s4 =	sld [smem:$0x3FAA]  }
0x2a: {  	p0 =	seq.s32 s5, $0x0;
	s5 =	sld [smem:$0x3FAB]  }
0x2b: {  	s6 =	sld [smem:$0x3FAC]  }
0x2c: {  	s7 =	sld [smem:$0x3FAD]  }
0x2d: {  	s3 =	simm.s32 $0x108;
	s8 =	sld [smem:$0x3FAE]  }
0x2e: {  	s3 =	simm.s32 @!p0 $0x1082;
	s9 =	sld [smem:$0x3FAF]  }
0x2f: {  	lr =	sadd.s32 s0, s3;
	s0 =	sld [smem:$0x3FA6]  }
0x30: {  	s3 =	sld [smem:$0x3FA9]  }
0x31: {  	[smem:$0x3FB2] =	sst s10  }
0x32: {  	s10 =	sld [smem:$0x3FB0];
	_ =	sdelay $0x3  }
0x33: {  	p0 =	seq.s32 s10, $0x1;
	s10 =	sld [smem:$0x3FB2];
	_ =	sdelay $0x3  }
0x34: {  	[smem:$0x3FB2] =	sst s10  }
0x35: {  	s10 =	sld [smem:$0x3FB1];
	_ =	sdelay $0x3  }
0x36: {  	p1 =	seq.s32 s10, $0x1;
	s10 =	sld [smem:$0x3FB2];
	_ =	sdelay $0x3  }
0x37: {  	[smem:$0x3FB2] =	sst s10  }
0x38: {  	s10 =	sld [smem:$0x3FB3]  }
0x39: {  	_ = 	snop;
	(pc) =	sbr.ind lr, $3  }
0x3a: {  	_ = 	snop  }
0x3b: {  	_ = 	snop  }
0x3c: {  	p2 =	seq.s32 s10, $0x1;
	s10 =	sld [smem:$0x3FB2]  }
0x3d: {  	_ =	shalt  }
0x3e: {  	_ =	shalt  }
0x3f: {  	_ =	shalt  }
0x40: {  	_ =	shalt  }
0x41: {  	_ =	shalt  }
0x42: {  	_ =	shalt  }
0x43: {  	_ =	shalt  }
0x44: {  	_ =	shalt  }
0x45: {  	_ =	shalt  }
0x46: {  	_ =	shalt  }
0x47: {  	_ =	shalt  }
0x48: {  	_ =	shalt  }
0x49: {  	_ =	shalt  }
0x4a: {  	_ =	shalt  }
0x4b: {  	_ =	shalt  }
0x4c: {  	_ =	shalt  }
0x4d: {  	_ =	shalt  }
0x4e: {  	_ =	shalt  }
0x4f: {  	_ =	shalt  }
0x50: {  	_ =	shalt  }
0x51: {  	_ =	shalt  }
0x52: {  	_ =	shalt  }
0x53: {  	_ =	shalt  }
0x54: {  	_ =	shalt  }
0x55: {  	_ =	shalt  }
0x56: {  	_ =	shalt  }
0x57: {  	_ =	shalt  }
0x58: {  	_ =	shalt  }
0x59: {  	_ =	shalt  }
0x5a: {  	_ =	shalt  }
0x5b: {  	_ =	shalt  }
0x5c: {  	_ =	shalt  }
0x5d: {  	_ =	shalt  }
0x5e: {  	_ =	shalt  }
0x5f: {  	_ =	shalt  }
0x60: {  	_ =	shalt  }
0x61: {  	_ =	shalt  }
0x62: {  	_ =	shalt  }
0x63: {  	_ =	shalt  }
0x64: {  	_ =	shalt  }
0x65: {  	_ =	shalt  }
0x66: {  	_ =	shalt  }
0x67: {  	_ =	shalt  }
0x68: {  	_ =	shalt  }
0x69: {  	_ =	shalt  }
0x6a: {  	_ =	shalt  }
0x6b: {  	_ =	shalt  }
0x6c: {  	_ =	shalt  }
0x6d: {  	_ =	shalt  }
0x6e: {  	_ =	shalt  }
0x6f: {  	_ =	shalt  }
0x70: {  	_ =	shalt  }
0x71: {  	_ =	shalt  }
0x72: {  	_ =	shalt  }
0x73: {  	_ =	shalt  }
0x74: {  	_ =	shalt  }
0x75: {  	_ =	shalt  }
0x76: {  	_ =	shalt  }
0x77: {  	_ =	shalt  }
0x78: {  	_ =	shalt  }
0x79: {  	_ =	shalt  }
0x7a: {  	_ =	shalt  }
0x7b: {  	_ =	shalt  }
0x7c: {  	_ =	shalt  }
0x7d: {  	_ =	shalt  }
0x7e: {  	_ =	shalt  }
0x7f: {  	_ =	shalt  }
0x80: {  	_ =	shalt  }
0x81: {  	_ =	shalt  }
0x82: {  	_ =	shalt  }
0x83: {  	_ =	shalt  }
0x84: {  	_ =	shalt  }
0x85: {  	_ =	shalt  }
0x86: {  	_ =	shalt  }
0x87: {  	_ =	shalt  }
.Lfunc_end0:
.L_simem_size_0:
called_computation_lowered:
.L_overlay_start_0:
0x88: {  	s2 =	sld [smem:$0x3FD9]  }
0x89: {  	s3 =	sld [smem:$0x3FFE];
	_ =	sdelay $0x1  }
0x8a: {  	s1 =	srdreg.scid  }
0x8b: {  	s0 =	sand.u32 $0x1, s1  }
0x8c: {  	s16 =	sshll.u32 s0, $0xA;
	s2 =	sadd.s32 s3, s2  }
0x8d: {  	s2 =	sadd.s32 s2, s16  }
0x8e: {  	[smem:$0x3FBE] =	sst s2  }
0x8f: {  	_ = 	snop  }
0x90: {  	(tm) =	ssettm $0x1  }
0x91: {  	s17 =	sld [smem:$0x3FFB];
	_ =	sdelay $0x3  }
0x92: {  	_ =	strace s17  }
0x93: {  	s2 =	sld [smem:$0x3FFC];
	_ =	sdelay $0x3  }
0x94: {  	_ =	strace s2  }
0x95: {  	s2 =	sld [smem:$0x3FFD];
	_ =	sdelay $0x3  }
0x96: {  	_ =	strace s2  }
0x97: {  	_ =	strace $0x8FFFFFFF  }
0x98: {  	s18 =	sld [smem:$0x3FDB];
	_ =	sdelay $0x1  }
0x99: {  	s19 =	simm.s32 $_scs_section_size  }
0x9a: {  	s4 =	simm.s32 $_size__tile_overlayer_lowered;
	s5 =	simm.s32 $_tile_overlayer_lowered  }
0x9b: {  	s22 =	simm.s32 $0x1BFF;
	s21 =	sshll.u32 s5, $0x1;
	s2 =	sadd.s32 s19, s18  }
0x9c: {  	s6 =	simm.s32 $0x0;
	s20 =	sshll.u32 s4, $0x1;
	s4 =	sadd.s32 s21, s2  }
0x9d: {  	[timem:s6], [sflag:s22] =	dma.local [hbm:s4], s20  }
0x9e: {  	_ =	swait.ge [sflag:s22], s20  }
0x9f: {  	s3 =	ssub.s32 $0x0, s20;
	[sflag:s22] =	ssyncset.done $0x0  }
0xa0: {  	[sflag:s22] =	ssyncadd.s32 s3;
	_ =	sdelay $0x1  }
0xa1: {  	s23 =	simm.s32 $0x1B8B  }
0xa2: {  	_ =	swait.ge [sflag:s23], $0x1  }
0xa3: {  	[sflag:s23] =	ssyncset.done $0x0  }
0xa4: {  	s25 =	simm.s32 $0x1B8E;
	s24 =	sld [smem:$0x3FFE];
	[sflag:s23] =	ssyncadd.s32 $0xFFFFFFFF  }
0xa5: {  	s26 =	simm.s32 $execute0_lowered;
	[smem:$0x3FD2] =	sst s25  }
0xa6: {  	s4 =	sshll.u32 s26, $0x1;
	_ =	strace $0x80000046;
	[dreg:$0x1] =	wrdreg $0xFFFFFFFF  }
0xa7: {  	s28 =	simm.s32 $_size_execute0_lowered;
	s2 =	sadd.s32 s2, s4;
	[dreg:$0x0] =	wrdreg $0x0  }
0xa8: {  	s4 =	sshll.u32 s28, $0x1;
	[dreg:$0x2] =	wrdreg s2  }
0xa9: {  	[dreg:$0x3] =	wrdreg s4  }
0xaa: {  	[dreg:$0x4] =	wrdreg $0xC0  }
0xab: {  	_ =	task [dreg:s6], $0x5FFFF  }
0xac: {  	[dreg:$0x1] =	wrdreg $0xFFFFFFFF  }
0xad: {  	[dreg:$0x0] =	wrdreg $0x60  }
0xae: {  	[dreg:$0x2] =	wrdreg s24  }
0xaf: {  	[dreg:$0x3] =	wrdreg $0x0  }
0xb0: {  	[dreg:$0x4] =	wrdreg $0xAF000  }
0xb1: {  	[dreg:$0x5] =	wrdreg $0x9  }
0xb2: {  	_ =	task.clear_ibuf [dreg:s6], $0x6FFFF;
	_ =	strace $0x90000046  }
0xb3: {  	s29 =	simm.s32 $0x9;
	_ =	strace $0x80000048  }
0xb4: {  	_ =	swait.ge [sflag:s29], $0x1  }
0xb5: {  	[sflag:s29] =	ssyncadd.s32 $0xFFFFFFFF  }
0xb6: {  	_ =	strace $0x90000048  }
0xb7: {  	_ =	sfence  }
0xb8: {  	s30 =	sld [smem:$0x0];
	_ =	sdelay $0x2  }
0xb9: {  	s31 =	sshll.u32 s1, $0xD;
	s1 =	sshrl.u32 s1, $0x2  }
0xba: {  	s3 =	sand.u32 $0x4000, s31;
	s1 =	sadd.s32 s1, s30  }
0xbb: {  	s0 =	sor.u32 s3, s0;
	s1 =	sshll.u32 s1, $0x11  }
0xbc: {  	s0 =	sor.u32 s1, s0  }
0xbd: {  	s0 =	sadd.s32 $0x8F2B, s0  }
0xbe: {  	[sflag:s0] =	ssyncadd.remote.s32 $0x1  }
0xbf: {  	_ =	sfence.sel $0xFFFF  }
0xc0: {  	[dreg:$0x0] =	wrdreg $0xFFFFFFFF;
	(pc) =	sbr.abs _section_cstart, $3  }
0xc1: {  	[dreg:$0x1] =	wrdreg $0xFFFFFFFF  }
0xc2: {  	_ =	task.clear_ibuf [dreg:s6], $0x2FFFF;
	_ =	strace $0x9FFFFFFF  }
0xc3: {  	(tm) =	ssettm $0x7FFFFFFF  }
tec
execute0_lowered:
.L_overlay_start_1:
0x0: {  	(tag) =	ssettag $0x1  }
0x1: {  	s6 =	rddreg [dreg:$0x0]  }
0x2: {  	s2 =	rddreg [dreg:$0x1]  }
0x3: {  	s1 =	srdreg.scid;
	s0 =	stileid.u32  }
0x4: {  	s3 =	rddreg [dreg:$0x2];
	s8 =	smul.u32 $0xA000, s0  }
0x5: {  	s4 =	simm.s32 $0x0;
	s28 =	simm.s32 $0x1;
	s13 =	smul.u32 $0x2800, s0  }
0x6: {  	s7 =	sand.u32 $0x1, s1;
	[smem:$0x7FF] =	sst s4;
	s12 =	smul.u32 $0x280, s0  }
0x7: {  	s9 =	smul.u32 $0xA0000, s7;
	s5 =	sshll.u32 s7, $0x4;
	_ =	strace $0x80000047  }
0x8: {  	s11 =	smul.u32 $0x28000, s7;
	s21 =	ssub.s32 $0x2, s7;
	s10 =	sor.u32 s0, s5  }
0x9: {  	s5 =	sadd.s32 $0x2A800, s6;
	s15 =	sadd.s32 $0x80, s12;
	s7 =	sshrl.u32 s21, $0x1  }
0xa: {  	s16 =	sadd.s32 $0x100, s12;
	s17 =	sadd.s32 $0x180, s12;
	s10 =	smul.u32 $0x4F0, s10  }
0xb: {  	s9 =	sadd.s32 s8, s9;
	s11 =	sadd.s32 s13, s11;
	s8 =	sshrl.u32 s8, $0x1  }
0xc: {  	s22 =	sshll.u32 s15, $0x5;
	s23 =	sshll.u32 s16, $0x5;
	s24 =	sshll.u32 s17, $0x5  }
0xd: {  	s26 =	sshll.u32 s15, $0x4;
	s13 =	sadd.s32 s13, s3;
	s29 =	sshll.u32 s16, $0x4  }
0xe: {  	s30 =	sshll.u32 s17, $0x4;
	s9 =	sshrl.u32 s9, $0x4;
	s20 =	sshrl.u32 s11, $0x3  }
0xf: {  	s15 =	sadd.s32 s29, s3;
	s16 =	sadd.s32 s30, s3;
	s14 =	sadd.s32 s10, s6  }
0x10: {  	s18 =	sadd.s32 s9, s6;
	s19 =	sadd.s32 s20, s6;
	s20 =	ssub.s32 s21, s7  }
0x11: {  	s6 =	sadd.s32 s8, s2;
	s7 =	sadd.s32 s22, s2;
	s21 =	sadd.s32 $0x200, s12  }
0x12: {  	s8 =	sadd.s32 s23, s2;
	s9 =	sadd.s32 s24, s2;
	s22 =	simm.s32 $0x2  }
0x13: {  	s23 =	simm.s32 $0x5000;
	s24 =	simm.s32 $0x7780;
	s25 =	sshll.u32 s21, $0x5  }
0x14: {  	s11 =	sadd.s32 $0x3E600, s14;
	s12 =	sadd.s32 $0x34800, s14;
	s14 =	sadd.s32 s26, s3  }
0x15: {  	s31 =	sshll.u32 s21, $0x4;
	s18 =	sadd.s32 $0x52400, s18;
	s19 =	sadd.s32 $0x48400, s19  }
0x16: {  	s20 =	smax.u32 s20, $0x1;
	s21 =	simm.s32 $0x9F00;
	s26 =	simm.s32 $0x80  }
0x17: {  	v0 =	vimm.bf16 $0.0e+00;
	v1 =	vimm.f32 $0.0e+00;
	v2 =	vimm.f32 $1.000000000e+00;
	s10 =	sadd.s32 s25, s2;
	s17 =	sadd.s32 s31, s3;
	s25 =	simm.s32 $0xD700  }
.LBB2_1:
0x18: {  	s29 =	simm.s32 $0x80;
	s30 =	simm.s32 $0x0  }
.LBB2_2:
0x19: {  	p0 =	sne.s32 s29, $0x3F80;
	[tilespmem:s30+$0x9F00] =	vst v0;
	s31 =	smov.u32 s29;
	s29 =	sadd.s32 $0x80, s29  }
.Ltmp0:
0x1a: {  	[tilespmem:s30+$0x9F10] =	vst v0;
	(pc) =	sbr.rel @p0 .LBB2_2-.Ltmp0, $2  }
0x1b: {  	_ =	sdelay $0x2  }
0x1c: {  	s30 =	sshra.s32 s31, $0x2  }
0x1d: {  	[tilespmem:s30+$0x9F00] =	vst v0  }
0x1e: {  	[tilespmem:s30+$0x9F10] =	vst v0  }
0x1f: {  	[spmem:s6] =	stream.linear.scatter [tilespmem:s21], [sflag:$0x2], $0x1000, $0x38;
	[tilespmem:$0xDF00] =	vst v63  }
0x20: {  	_ =	swait.ge [sflag:s22], $0x1000  }
0x21: {  	[sflag:s22] =	ssyncset.done $0x0  }
0x22: {  	[sflag:s22] =	ssyncadd.s32 $0xFFFFF000  }
0x23: {  	[spmem:s7] =	stream.linear.scatter [tilespmem:s21], [sflag:$0x2], $0x1000, $0x38;
	[tilespmem:$0xDF00] =	vst v63  }
0x24: {  	_ =	swait.ge [sflag:s22], $0x1000  }
0x25: {  	[sflag:s22] =	ssyncset.done $0x0  }
0x26: {  	[sflag:s22] =	ssyncadd.s32 $0xFFFFF000  }
0x27: {  	[spmem:s8] =	stream.linear.scatter [tilespmem:s21], [sflag:$0x2], $0x1000, $0x38;
	[tilespmem:$0xDF00] =	vst v63  }
0x28: {  	_ =	swait.ge [sflag:s22], $0x1000  }
0x29: {  	[sflag:s22] =	ssyncset.done $0x0  }
0x2a: {  	[sflag:s22] =	ssyncadd.s32 $0xFFFFF000  }
0x2b: {  	[spmem:s9] =	stream.linear.scatter [tilespmem:s21], [sflag:$0x2], $0x1000, $0x38;
	[tilespmem:$0xDF00] =	vst v63  }
0x2c: {  	_ =	swait.ge [sflag:s22], $0x1000  }
0x2d: {  	[sflag:s22] =	ssyncset.done $0x0  }
0x2e: {  	[sflag:s22] =	ssyncadd.s32 $0xFFFFF000  }
0x2f: {  	[spmem:s10] =	stream.linear.scatter [tilespmem:s21], [sflag:$0x2], $0x1000, $0x38;
	[tilespmem:$0xDF00] =	vst v63  }
0x30: {  	_ =	swait.ge [sflag:s22], $0x1000  }
0x31: {  	[sflag:s22] =	ssyncset.done $0x0  }
0x32: {  	s29 =	simm.s32 $0x0;
	[sflag:s22] =	ssyncadd.s32 $0xFFFFF000  }
0x33: {  	[tilespmem:s23], [sflag:$0x2] =	stream.linear.gather [hbm4b:s11+s29], $0x2780, $0x38;
	[tilespmem:$0xDF00] =	vst v63  }
0x34: {  	_ =	swait.ge [sflag:s22], $0x2780  }
0x35: {  	[sflag:s22] =	ssyncset.done $0x0  }
0x36: {  	[sflag:s22] =	ssyncadd.s32 $0xFFFFD880  }
0x37: {  	[tilespmem:s24], [sflag:$0x2] =	stream.linear.gather [hbm4b:s12+s29], $0x2780, $0x38;
	[tilespmem:$0xDF00] =	vst v63  }
0x38: {  	_ =	swait.ge [sflag:s22], $0x2780  }
0x39: {  	[sflag:s22] =	ssyncset.done $0x0  }
0x3a: {  	s30 =	simm.s32 $0x0;
	s29 =	simm.s32 $0x40;
	[sflag:s22] =	ssyncadd.s32 $0xFFFFD880  }
.LBB2_4:
0x3b: {  	p0 =	sne.s32 s29, $0x1FC0;
	[tilespmem:s30+$0xD700] =	vst v1;
	s30 =	smov.u32 s29;
	s29 =	sadd.s32 $0x40, s29  }
.Ltmp1:
0x3c: {  	(pc) =	sbr.rel @p0 .LBB2_4-.Ltmp1, $2  }
0x3d: {  	_ =	sdelay $0x2  }
0x3e: {  	s30 =	sshra.s32 s30, $0x2  }
0x3f: {  	[tilespmem:s30+$0xD700] =	vst v1  }
0x40: {  	[spmem:s13] =	stream.linear.scatter [tilespmem:s25], [sflag:$0x2], $0x800, $0x38;
	[tilespmem:$0xDF00] =	vst v63  }
0x41: {  	_ =	swait.ge [sflag:s22], $0x800  }
0x42: {  	[sflag:s22] =	ssyncset.done $0x0  }
0x43: {  	[sflag:s22] =	ssyncadd.s32 $0xFFFFF800  }
0x44: {  	[spmem:s14] =	stream.linear.scatter [tilespmem:s25], [sflag:$0x2], $0x800, $0x38;
	[tilespmem:$0xDF00] =	vst v63  }
0x45: {  	_ =	swait.ge [sflag:s22], $0x800  }
0x46: {  	[sflag:s22] =	ssyncset.done $0x0  }
0x47: {  	[sflag:s22] =	ssyncadd.s32 $0xFFFFF800  }
0x48: {  	[spmem:s15] =	stream.linear.scatter [tilespmem:s25], [sflag:$0x2], $0x800, $0x38;
	[tilespmem:$0xDF00] =	vst v63  }
0x49: {  	_ =	swait.ge [sflag:s22], $0x800  }
0x4a: {  	[sflag:s22] =	ssyncset.done $0x0  }
0x4b: {  	[sflag:s22] =	ssyncadd.s32 $0xFFFFF800  }
0x4c: {  	[spmem:s16] =	stream.linear.scatter [tilespmem:s25], [sflag:$0x2], $0x800, $0x38;
	[tilespmem:$0xDF00] =	vst v63  }
0x4d: {  	_ =	swait.ge [sflag:s22], $0x800  }
0x4e: {  	[sflag:s22] =	ssyncset.done $0x0  }
0x4f: {  	[sflag:s22] =	ssyncadd.s32 $0xFFFFF800  }
0x50: {  	[spmem:s17] =	stream.linear.scatter [tilespmem:s25], [sflag:$0x2], $0x800, $0x38;
	[tilespmem:$0xDF00] =	vst v63  }
0x51: {  	_ =	swait.ge [sflag:s22], $0x800  }
0x52: {  	[sflag:s22] =	ssyncset.done $0x0  }
0x53: {  	s29 =	simm.s32 $0x40;
	s30 =	simm.s32 $0x0;
	[sflag:s22] =	ssyncadd.s32 $0xFFFFF800  }
.LBB2_6:
0x54: {  	p0 =	sne.s32 s29, $0x1FC0;
	[tilespmem:s30+$0xD700] =	vst v2;
	s30 =	smov.u32 s29;
	s29 =	sadd.s32 $0x40, s29  }
.Ltmp2:
0x55: {  	(pc) =	sbr.rel @p0 .LBB2_6-.Ltmp2, $2  }
0x56: {  	_ =	sdelay $0x2  }
0x57: {  	s30 =	sshra.s32 s30, $0x2  }
0x58: {  	[tilespmem:s30+$0xD700] =	vst v2  }
0x59: {  	s29 =	simm.s32 $0x5000;
	[bflag:$0x0] =	sbarrier.arrive $0xFFFF  }
0x5a: {  	[tilespmem:s21], [sflag:$0x1] =	stream.indirect.gather [hbm4b:s5+s26], $0x20, s29, s26, $0xb8;
	[tilespmem:$0xDF00] =	vst v63  }
0x5b: {  	_ =	swait.ge [sflag:s28], $0x1000  }
0x5c: {  	[sflag:s28] =	ssyncset.done $0x0  }
0x5d: {  	s29 =	simm.s32 $0x7780;
	[sflag:s28] =	ssyncadd.s32 $0xFFFFF000  }
0x5e: {  	[spmem:s2] =	stream.indirect.scatter.add.bf16 [tilespmem:s21], [sflag:$0x2], $0x20, s29, s26, $0xb8;
	[tilespmem:$0xDF00] =	vst v63  }
0x5f: {  	_ =	swait.ge [sflag:s22], $0x1000  }
0x60: {  	[sflag:s22] =	ssyncset.done $0x0  }
0x61: {  	[sflag:s22] =	ssyncadd.s32 $0xFFFFF000  }
0x62: {  	[spmem:s3] =	stream.indirect.scatter.add.f32 [tilespmem:s25], [sflag:$0x2], $0x10, s29, s26, $0xb8;
	[tilespmem:$0xDF00] =	vst v63  }
0x63: {  	_ =	swait.ge [sflag:s22], $0x800  }
0x64: {  	s30 =	simm.s32 $0x400;
	s29 =	simm.s32 $0x80;
	[sflag:s22] =	ssyncset.done $0x0  }
.LBB2_8:
0x65: {  	s31 =	sadd.s32 $0x5000, s29  }
0x66: {  	[sflag:s22] =	ssyncadd.s32 $0xFFFFF800;
	s1 =	smov.u32 s30;
	s0 =	sadd.s32 $0x200, s30  }
0x67: {  	[tilespmem:s21], [sflag:$0x1] =	stream.indirect.gather [hbm4b:s5+s26], $0x20, s31, s26, $0xb8;
	[tilespmem:$0xDF00] =	vst v63  }
0x68: {  	p0 =	sne.s32 s30, $0x9C00;
	_ =	swait.ge [sflag:s28], $0x1000  }
0x69: {  	[sflag:s28] =	ssyncset.done $0x0  }
0x6a: {  	s29 =	sadd.s32 $0x7780, s29;
	[sflag:s28] =	ssyncadd.s32 $0xFFFFF000  }
0x6b: {  	[spmem:s2] =	stream.indirect.scatter.add.bf16 [tilespmem:s21], [sflag:$0x2], $0x20, s29, s26, $0xb8;
	[tilespmem:$0xDF00] =	vst v63  }
0x6c: {  	_ =	swait.ge [sflag:s22], $0x1000  }
.Ltmp3:
0x6d: {  	[sflag:s22] =	ssyncset.done $0x0;
	(pc) =	sbr.rel @p0 .LBB2_8-.Ltmp3, $4  }
0x6e: {  	[sflag:s22] =	ssyncadd.s32 $0xFFFFF000  }
0x6f: {  	[spmem:s3] =	stream.indirect.scatter.add.f32 [tilespmem:s25], [sflag:$0x2], $0x10, s29, s26, $0xb8;
	[tilespmem:$0xDF00] =	vst v63  }
0x70: {  	_ =	swait.ge [sflag:s22], $0x800  }
0x71: {  	s30 =	smov.u32 s0;
	s29 =	sshra.s32 s1, $0x2;
	[sflag:s22] =	ssyncset.done $0x0  }
0x72: {  	s0 =	sadd.s32 $0x5000, s29;
	[sflag:s22] =	ssyncadd.s32 $0xFFFFF800  }
0x73: {  	[tilespmem:s21], [sflag:$0x1] =	stream.indirect.gather [hbm4b:s5+s26], $0x20, s0, s26, $0xb8;
	[tilespmem:$0xDF00] =	vst v63  }
0x74: {  	_ =	swait.ge [sflag:s28], $0x1000  }
0x75: {  	[sflag:s28] =	ssyncset.done $0x0  }
0x76: {  	s29 =	sadd.s32 $0x7780, s29;
	[sflag:s28] =	ssyncadd.s32 $0xFFFFF000  }
0x77: {  	[spmem:s2] =	stream.indirect.scatter.add.bf16 [tilespmem:s21], [sflag:$0x2], $0x20, s29, s26, $0xb8;
	[tilespmem:$0xDF00] =	vst v63  }
0x78: {  	_ =	swait.ge [sflag:s22], $0x1000  }
0x79: {  	[sflag:s22] =	ssyncset.done $0x0  }
0x7a: {  	[sflag:s22] =	ssyncadd.s32 $0xFFFFF000  }
0x7b: {  	[spmem:s3] =	stream.indirect.scatter.add.f32 [tilespmem:s25], [sflag:$0x2], $0x10, s29, s26, $0xb8;
	[tilespmem:$0xDF00] =	vst v63  }
0x7c: {  	_ =	swait.ge [sflag:s22], $0x800  }
0x7d: {  	s30 =	stileid.u32;
	[sflag:s22] =	ssyncset.done $0x0  }
0x7e: {  	s0 =	sshll.u32 s30, $0x6;
	[sflag:s22] =	ssyncadd.s32 $0xFFFFF800  }
0x7f: {  	s1 =	sshrl.u32 s6, $0x3;
	s0 =	sor.u32 $0x1C02, s0;
	[bflag:$0x0] =	sbarrier.arrive $0xFFFF  }
0x80: {  	[hbm:s18], [sflag:s0] =	dma.local [spmem:s1], $0xA00  }
0x81: {  	s4 =	sadd.s32 $0x1, s4;
	_ =	swait.ge [sflag:s22], $0xA00  }
0x82: {  	p0 =	sne.s32 s4, s20;
	[sflag:s22] =	ssyncset.done $0x0  }
.Ltmp4:
0x83: {  	s31 =	sshrl.u32 s13, $0x3;
	[sflag:s22] =	ssyncadd.s32 $0xFFFFF600;
	(pc) =	sbr.rel @p0 .LBB2_1-.Ltmp4, $4  }
0x84: {  	[hbm:s19], [sflag:s0] =	dma.local [spmem:s31], $0x500  }
0x85: {  	_ =	swait.ge [sflag:s22], $0x500  }
0x86: {  	[sflag:s22] =	ssyncset.done $0x0  }
0x87: {  	[sflag:s22] =	ssyncadd.s32 $0xFFFFFB00  }
0x88: {  	_ =	sfence.sel $0x180000  }
0x89: {  	[bflag:$0x0] =	sbarrier.arrive $0xFFFF  }
0x8a: {  	_ =	strace $0x90000047  }
0x8b: {  	s0 =	stileid.u32;
	[bflag:$0x2] =	sbarrier.arrive $0xFFFF  }
0x8c: {  	p0 =	sne.s32 s0, $0x0;
	s0 =	rddreg [dreg:$0x3]  }
0x8d: {  	s0 =	sadd.s32 @!p0 $0x100000, s0  }
0x8e: {  	[sflag:s0] =	ssyncadd.tile.s32 @!p0 $0x1;
	_ =	shalt  }
.Lfunc_end2:
_tile_overlayer_lowered:
.L_overlay_start_2:
0x8f: {  	(tag) =	ssettag $0x2  }
0x90: {  	s0 =	rddreg [dreg:$0x0];
	s2 =	stileid.u32  }
0x91: {  	s1 =	rddreg [dreg:$0x1];
	p0 =	sne.s32 s2, $0x0  }
0x92: {  	s3 =	rddreg [dreg:$0x2];
	[bflag:$0x3] =	sbarrier.arrive $0xFFFF;
	s2 =	simm.s32 @!p0 $0x1C02  }
0x93: {  	[timem:s3], [sflag:s2] =	dma.local @!p0 [hbm:s0], s1  }
0x94: {  	s0 =	simm.s32 @!p0 $0x2  }
0x95: {  	_ =	swait.ge @!p0 [sflag:s0], s1  }
0x96: {  	s1 =	ssub.s32 @!p0 $0x0, s1;
	[sflag:s0] =	ssyncset.done @!p0 $0x0  }
0x97: {  	[sflag:s0] =	ssyncadd.s32 @!p0 s1  }
0x98: {  	[bflag:$0x3] =	sbarrier.arrive $0xFFFF  }
0x99: {  	_ =	shalt  }

</sc_bundles>
